<compile_context>
chip_gen: v7x
topology: tpu7x:2x2x1
jax: 0.10.2.dev20260603
libtpu: 0.0.44.dev20260713+nightly
codegen_flags: <defaults>
</compile_context>

<pallas_src>
import functools

import jax
import jax.numpy as jnp
from jax import lax
from jax.experimental import pallas as pl
from jax.experimental.pallas import tpu as pltpu
from jax.experimental.pallas import tpu_sc as plsc

N = 10000
D = 128
NP = 10240
NC = 2
NS = 16
NT = NC * NS
RPT = NP // NS
K = 128
E = 320000
CH = -(-E // (NT * K))
EPT = CH * K
EP = NT * EPT

BLOCK = 1024

_mesh = plsc.VectorSubcoreMesh(core_axis_name="c", subcore_axis_name="s")


@functools.partial(
    pl.kernel,
    out_type=(
        jax.ShapeDtypeStruct((NP,), jnp.float32),
        jax.ShapeDtypeStruct((NP,), jnp.float32),
    ),
    mesh=_mesh,
    scratch_types=[
        pltpu.VMEM((CH, K), jnp.int32),
        pltpu.VMEM((K,), jnp.float32),
        pltpu.VMEM((RPT,), jnp.float32),
        pltpu.VMEM_SHARED((NP,), jnp.float32),
    ],
)
def _deg_call(dst_hbm, degA, degB, idx_v, ones_v, z_v, shared):
    cid = lax.axis_index("c")
    sid = lax.axis_index("s")
    wid = sid * NC + cid
    base = sid * RPT
    pltpu.sync_copy(dst_hbm.at[wid], idx_v)
    z16 = jnp.zeros((16,), jnp.float32)
    one16 = jnp.ones((16,), jnp.float32)

    def fill(i, c):
        ones_v[pl.ds(i * 16, 16)] = one16
        return c

    lax.fori_loop(0, K // 16, fill, 0)

    def zero(i, c):
        z_v[pl.ds(i * 16, 16)] = z16
        return c

    lax.fori_loop(0, RPT // 16, zero, 0)
    pltpu.sync_copy(z_v, shared.at[pl.ds(base, RPT)])
    plsc.subcore_barrier()

    def step(j, c):
        pltpu.sync_copy(ones_v, shared.at[idx_v.at[j]], add=True)
        return c

    lax.fori_loop(0, CH, step, 0)
    plsc.subcore_barrier()

    @pl.when(cid == 0)
    def _():
        pltpu.sync_copy(shared.at[pl.ds(base, RPT)], degA.at[pl.ds(base, RPT)])

    @pl.when(cid == 1)
    def _():
        pltpu.sync_copy(shared.at[pl.ds(base, RPT)], degB.at[pl.ds(base, RPT)])


@functools.partial(
    pl.kernel,
    out_type=(
        jax.ShapeDtypeStruct((NP, D), jnp.float32),
        jax.ShapeDtypeStruct((NP, D), jnp.float32),
    ),
    mesh=_mesh,
    scratch_types=[
        pltpu.VMEM((CH, K), jnp.int32),
        pltpu.VMEM((CH, K), jnp.int32),
        pltpu.VMEM((K, D), jnp.float32),
        pltpu.VMEM_SHARED((NP, D), jnp.float32),
        pltpu.SemaphoreType.DMA,
    ],
)
def _agg_call(g_hbm, src_hbm, dst_hbm, zr_hbm, aggA, aggB,
              src_v, dst_v, rows_v, shared, sem):
    cid = lax.axis_index("c")
    sid = lax.axis_index("s")
    wid = sid * NC + cid
    base = sid * RPT
    pltpu.sync_copy(src_hbm.at[wid], src_v)
    pltpu.sync_copy(dst_hbm.at[wid], dst_v)
    pltpu.sync_copy(zr_hbm, shared.at[pl.ds(base, RPT)])
    plsc.subcore_barrier()

    def step(j, c):
        pltpu.async_copy(g_hbm.at[src_v.at[j]], rows_v, sem).wait()
        pltpu.sync_copy(rows_v, shared.at[dst_v.at[j]], add=True)
        return c

    lax.fori_loop(0, CH, step, 0)
    plsc.subcore_barrier()

    @pl.when(cid == 0)
    def _():
        pltpu.sync_copy(shared.at[pl.ds(base, RPT)], aggA.at[pl.ds(base, RPT)])

    @pl.when(cid == 1)
    def _():
        pltpu.sync_copy(shared.at[pl.ds(base, RPT)], aggB.at[pl.ds(base, RPT)])


def _dot(a, b):
    return jnp.dot(a, b, preferred_element_type=jnp.float32)


def _tc1_body(degA, degB, x_ref, W_ref, g_ref, dinv_ref):
    i = pl.program_id(0)
    deg = degA[...] + degB[...] + 1.0
    dinv = lax.rsqrt(jnp.maximum(deg, 1.0))
    rows = i * BLOCK + lax.broadcasted_iota(jnp.int32, (BLOCK, 1), 0)
    dinv = jnp.where(rows < N, dinv, 0.0)
    dinv_ref[...] = dinv
    g_ref[...] = dinv * _dot(x_ref[...], W_ref[...])


def _tc2_body(aggA, aggB, g1, dinv, b1, W_ref, g2_ref):
    s = aggA[...] + aggB[...] + g1[...]
    h = jnp.maximum(dinv[...] * s + b1[...], 0.0)
    g2_ref[...] = dinv[...] * _dot(h, W_ref[...])


def _tc3_body(aggA, aggB, g2, dinv, b2, fcW1, fcb1, fcW2, fcb2, out_ref):
    s = aggA[...] + aggB[...] + g2[...]
    h = jnp.maximum(dinv[...] * s + b2[...], 0.0)
    z = jnp.maximum(_dot(h, fcW1[...]) + fcb1[...], 0.0)
    out_ref[...] = _dot(z, fcW2[...]) + fcb2[...]


def _row_spec(w):
    return pl.BlockSpec((BLOCK, w), lambda i: (i, 0))


def _full_spec(h, w):
    return pl.BlockSpec((h, w), lambda i: (0, 0))


_GRID = (NP // BLOCK,)

_tc1 = pl.pallas_call(
    _tc1_body,
    grid=_GRID,
    in_specs=[_row_spec(1), _row_spec(1), _row_spec(D), _full_spec(D, D)],
    out_specs=[_row_spec(D), _row_spec(1)],
    out_shape=[
        jax.ShapeDtypeStruct((NP, D), jnp.float32),
        jax.ShapeDtypeStruct((NP, 1), jnp.float32),
    ],
)

_tc2 = pl.pallas_call(
    _tc2_body,
    grid=_GRID,
    in_specs=[_row_spec(D), _row_spec(D), _row_spec(D), _row_spec(1),
              _full_spec(1, D), _full_spec(D, D)],
    out_specs=_row_spec(D),
    out_shape=jax.ShapeDtypeStruct((NP, D), jnp.float32),
)

_tc3 = pl.pallas_call(
    _tc3_body,
    grid=_GRID,
    in_specs=[_row_spec(D), _row_spec(D), _row_spec(D), _row_spec(1),
              _full_spec(1, D), _full_spec(D, 64), _full_spec(1, 64),
              _full_spec(64, 1), _full_spec(1, 1)],
    out_specs=_row_spec(1),
    out_shape=jax.ShapeDtypeStruct((NP, 1), jnp.float32),
)


def kernel(x, edge_index, W1, b1, W2, b2, fcW1, fcb1, fcW2, fcb2):
    src = edge_index[0]
    dst = edge_index[1]
    padv = jnp.full((EP - E,), N, dtype=jnp.int32)
    srcp = jnp.concatenate([src, padv])
    dstp = jnp.concatenate([dst, padv])
    dst3 = dstp.reshape(NT, CH, K)
    src4 = srcp.reshape(NT, CH, K)
    dst4 = dstp.reshape(NT, CH, K)

    degA, degB = _deg_call(dst3)

    x_pad = jnp.pad(x, ((0, NP - N), (0, 0)))
    g1, dinv = _tc1(degA.reshape(NP, 1), degB.reshape(NP, 1), x_pad, W1)

    zr = jnp.zeros((RPT, D), jnp.float32)
    aggA1, aggB1 = _agg_call(g1, src4, dst4, zr)
    g2 = _tc2(aggA1, aggB1, g1, dinv, b1.reshape(1, D), W2)
    aggA2, aggB2 = _agg_call(g2, src4, dst4, zr)
    out = _tc3(aggA2, aggB2, g2, dinv, b2.reshape(1, D),
               fcW1, fcb1.reshape(1, 64), fcW2, fcb2.reshape(1, 1))
    return out[:N]

# --- scband reference (transcript-rebuilt; emitter-appended) ---
"""Pipeline reference for scband-gcnmodel-25357486916258 (READ-ONLY COPY).

The authoritative reference and input builder live on the scoring server;
editing this copy changes nothing except your own understanding.
"""

import jax, jax.numpy as jnp
import numpy as np

N = 10000
E = 320000
D_IN = 128
D_HID = 128
D_FC_IN = 128
D_FC_HID = 64
D_OUT = 1


def gcn_conv(x, edge_index, W, b):
    n = x.shape[0]
    loops = jnp.arange(n, dtype=edge_index.dtype)
    src = jnp.concatenate([edge_index[0], loops])
    dst = jnp.concatenate([edge_index[1], loops])
    deg = jax.ops.segment_sum(jnp.ones(src.shape[0], dtype=x.dtype), dst, num_segments=n)
    dinv = jax.lax.rsqrt(jnp.maximum(deg, 1.0))
    norm = dinv[src] * dinv[dst]
    h = x @ W
    msg = h[src] * norm[:, None]
    out = jax.ops.segment_sum(msg, dst, num_segments=n)
    return out + b


def setup_inputs(seed: int = 0) -> dict:
    key = jax.random.key(seed)
    ks = jax.random.split(key, 12)
    x = jax.random.normal(ks[0], (N, D_IN), dtype=jnp.float32)
    edge_index = jax.random.randint(ks[1], (2, E), 0, N, dtype=jnp.int32)
    W1 = jax.random.normal(ks[2], (D_IN, D_HID), dtype=jnp.float32) * (1.0 / np.sqrt(D_IN))
    b1 = jnp.zeros((D_HID,), dtype=jnp.float32)
    W2 = jax.random.normal(ks[3], (D_HID, D_FC_IN), dtype=jnp.float32) * (1.0 / np.sqrt(D_HID))
    b2 = jnp.zeros((D_FC_IN,), dtype=jnp.float32)
    fcW1 = jax.random.normal(ks[4], (D_FC_IN, D_FC_HID), dtype=jnp.float32) * (1.0 / np.sqrt(D_FC_IN))
    fcb1 = jnp.zeros((D_FC_HID,), dtype=jnp.float32)
    fcW2 = jax.random.normal(ks[5], (D_FC_HID, D_OUT), dtype=jnp.float32) * (1.0 / np.sqrt(D_FC_HID))
    fcb2 = jnp.zeros((D_OUT,), dtype=jnp.float32)
    return {"x": x, "edge_index": edge_index, "W1": W1, "b1": b1, "W2": W2, "b2": b2, "fcW1": fcW1, "fcb1": fcb1, "fcW2": fcW2, "fcb2": fcb2}


def reference(x, edge_index, W1, b1, W2, b2, fcW1, fcb1, fcW2, fcb2):
    h = jax.nn.relu(gcn_conv(x, edge_index, W1, b1))
    h = jax.nn.relu(gcn_conv(h, edge_index, W2, b2))
    h = jax.nn.relu(h @ fcW1 + fcb1)
    out = h @ fcW2 + fcb2
    return out

if __name__ == "__main__":
    import jax
    _d = setup_inputs()
    print(jax.jit(kernel)(*tuple(_d.values())))

</pallas_src>

<mosaic_0001>
#map = affine_map<(d0, d1) -> (0, 0, 0)>
#map1 = affine_map<(d0, d1) -> (0)>
module attributes {stable_mosaic.version = 14 : i64} {
  func.func @_deg_call(%arg0: i32, %arg1: i32, %arg2: memref<32x79x128xi32, #tpu.memory_space<hbm>>, %arg3: memref<10240xf32, #tpu.memory_space<hbm>>, %arg4: memref<10240xf32, #tpu.memory_space<hbm>>, %arg5: memref<79x128xi32, #tpu.memory_space<vmem>>, %arg6: memref<128xf32, #tpu.memory_space<vmem>>, %arg7: memref<640xf32, #tpu.memory_space<vmem>>, %arg8: memref<10240xf32, #tpu.memory_space<vmem_shared>>) attributes {dimension_semantics = [#tpu.dimension_semantics<core_parallel>, #tpu.dimension_semantics<subcore_parallel>], iteration_bounds = array<i64: 2, 16>, scalar_prefetch = 0 : i64, scratch_operands = 4 : i64, tpu.core_type = #tpu.core_type<sc_vector_subcore>, window_params = [{transform_indices = #map}, {transform_indices = #map1}, {transform_indices = #map1}]} {
    %mul3A = arith.constant 2 : i32
    %mul3A_0 = arith.muli %arg1, %mul3A : i32
    %add3A = arith.addi %mul3A_0, %arg0 : i32
    %mul3A_1 = arith.constant 640 : i32
    %mul3A_2 = arith.muli %arg1, %mul3A_1 : i32
    "tpu.region"() ({
      %run_scoped3A = tpu.sem_alloc : memref<!tpu.dma_semaphore, #tpu.memory_space<semaphore_mem>>
      %dma_start3A = arith.constant 0 : i32
      %dma_start3A_31 = arith.constant 0 : i32
      %dma_start3A_32 = tpu.memref_slice %arg2[%add3A, %dma_start3A, %dma_start3A_31] : memref<32x79x128xi32, #tpu.memory_space<hbm>> -> memref<1x79x128xi32, #tpu.memory_space<hbm>>
      %dma_start3A_33 = tpu.memref_squeeze %dma_start3A_32 : memref<1x79x128xi32, #tpu.memory_space<hbm>> -> memref<79x128xi32, #tpu.memory_space<hbm>>
      %dma_start3A_34 = arith.constant 0 : i32
      %dma_start3A_35 = arith.constant 0 : i32
      %dma_start3A_36 = tpu.memref_slice %arg2[%add3A, %dma_start3A_34, %dma_start3A_35] : memref<32x79x128xi32, #tpu.memory_space<hbm>> -> memref<1x79x128xi32, #tpu.memory_space<hbm>>
      %dma_start3A_37 = tpu.memref_squeeze %dma_start3A_36 : memref<1x79x128xi32, #tpu.memory_space<hbm>> -> memref<79x128xi32, #tpu.memory_space<hbm>>
      tpu.enqueue_dma source(%dma_start3A_37 : memref<79x128xi32, #tpu.memory_space<hbm>>) target(%arg5 : memref<79x128xi32, #tpu.memory_space<vmem>>) target_semaphore(%run_scoped3A : memref<!tpu.dma_semaphore, #tpu.memory_space<semaphore_mem>>)
      %dma_wait3A = arith.constant 0 : i32
      %dma_wait3A_38 = arith.constant 0 : i32
      %dma_wait3A_39 = tpu.memref_slice %arg2[%add3A, %dma_wait3A, %dma_wait3A_38] : memref<32x79x128xi32, #tpu.memory_space<hbm>> -> memref<1x79x128xi32, #tpu.memory_space<hbm>>
      %dma_wait3A_40 = tpu.memref_squeeze %dma_wait3A_39 : memref<1x79x128xi32, #tpu.memory_space<hbm>> -> memref<79x128xi32, #tpu.memory_space<hbm>>
      %dma_wait3A_41 = arith.constant 0 : i32
      %dma_wait3A_42 = arith.constant 0 : i32
      %dma_wait3A_43 = tpu.memref_slice %arg2[%add3A, %dma_wait3A_41, %dma_wait3A_42] : memref<32x79x128xi32, #tpu.memory_space<hbm>> -> memref<1x79x128xi32, #tpu.memory_space<hbm>>
      %dma_wait3A_44 = tpu.memref_squeeze %dma_wait3A_43 : memref<1x79x128xi32, #tpu.memory_space<hbm>> -> memref<79x128xi32, #tpu.memory_space<hbm>>
      tpu.wait_dma2 semaphore(%run_scoped3A : memref<!tpu.dma_semaphore, #tpu.memory_space<semaphore_mem>>) src(%dma_wait3A_44 : memref<79x128xi32, #tpu.memory_space<hbm>>) dst(%arg5 : memref<79x128xi32, #tpu.memory_space<vmem>>)
      tpu.yield
    }) : () -> ()
    %broadcast_in_dim3A = arith.constant 0.000000e+00 : f32
    %broadcast_in_dim3A_3 = vector.broadcast %broadcast_in_dim3A : f32 to vector<16xf32>
    %broadcast_in_dim3A_4 = arith.constant 1.000000e+00 : f32
    %broadcast_in_dim3A_5 = vector.broadcast %broadcast_in_dim3A_4 : f32 to vector<16xf32>
    %scan3A = arith.constant 0 : i32
    %scan3A_6 = arith.constant 0 : i32
    %scan3A_7 = arith.constant 8 : i32
    %scan3A_8 = arith.addi %scan3A_6, %scan3A_7 : i32
    %scan3A_9 = arith.constant 1 : i32
    scf.for %scan3A_31 = %scan3A_6 to %scan3A_8 step %scan3A_9  : i32 {
      %mul3A_32 = arith.constant 16 : i32
      %mul3A_33 = arith.muli %scan3A_31, %mul3A_32 : i32
      %swap3A = arith.index_cast %mul3A_33 : i32 to index
      %swap3A_34 = tpu.vector_load %arg6[%swap3A] {strides = array<i32>} : memref<128xf32, #tpu.memory_space<vmem>>, vector<16xf32>,
      %swap3A_35 = vector.shape_cast %swap3A_34 : vector<16xf32> to vector<16xf32>
      %swap3A_36 = vector.shape_cast %broadcast_in_dim3A_5 : vector<16xf32> to vector<16xf32>
      tpu.vector_store %arg6[%swap3A], %swap3A_36 {strides = array<i32>} : memref<128xf32, #tpu.memory_space<vmem>>, vector<16xf32>,
    }
    %scan3A_10 = arith.constant 8 : i32
    %scan3A_11 = arith.constant 0 : i32
    %scan3A_12 = arith.constant 0 : i32
    %scan3A_13 = arith.constant 40 : i32
    %scan3A_14 = arith.addi %scan3A_12, %scan3A_13 : i32
    %scan3A_15 = arith.constant 1 : i32
    scf.for %scan3A_31 = %scan3A_12 to %scan3A_14 step %scan3A_15  : i32 {
      %mul3A_32 = arith.constant 16 : i32
      %mul3A_33 = arith.muli %scan3A_31, %mul3A_32 : i32
      %swap3A = arith.index_cast %mul3A_33 : i32 to index
      %swap3A_34 = tpu.vector_load %arg7[%swap3A] {strides = array<i32>} : memref<640xf32, #tpu.memory_space<vmem>>, vector<16xf32>,
      %swap3A_35 = vector.shape_cast %swap3A_34 : vector<16xf32> to vector<16xf32>
      %swap3A_36 = vector.shape_cast %broadcast_in_dim3A_3 : vector<16xf32> to vector<16xf32>
      tpu.vector_store %arg7[%swap3A], %swap3A_36 {strides = array<i32>} : memref<640xf32, #tpu.memory_space<vmem>>, vector<16xf32>,
    }
    %scan3A_16 = arith.constant 40 : i32
    "tpu.region"() ({
      %run_scoped3A = tpu.sem_alloc : memref<!tpu.dma_semaphore, #tpu.memory_space<semaphore_mem>>
      %dma_start3A = tpu.memref_slice %arg8[%mul3A_2] : memref<10240xf32, #tpu.memory_space<vmem_shared>> -> memref<640xf32, #tpu.memory_space<vmem_shared>>
      %dma_start3A_31 = tpu.memref_slice %arg8[%mul3A_2] : memref<10240xf32, #tpu.memory_space<vmem_shared>> -> memref<640xf32, #tpu.memory_space<vmem_shared>>
      tpu.enqueue_dma source(%arg7 : memref<640xf32, #tpu.memory_space<vmem>>) target(%dma_start3A_31 : memref<640xf32, #tpu.memory_space<vmem_shared>>) target_semaphore(%run_scoped3A : memref<!tpu.dma_semaphore, #tpu.memory_space<semaphore_mem>>)
      %dma_wait3A = tpu.memref_slice %arg8[%mul3A_2] : memref<10240xf32, #tpu.memory_space<vmem_shared>> -> memref<640xf32, #tpu.memory_space<vmem_shared>>
      %dma_wait3A_32 = tpu.memref_slice %arg8[%mul3A_2] : memref<10240xf32, #tpu.memory_space<vmem_shared>> -> memref<640xf32, #tpu.memory_space<vmem_shared>>
      tpu.wait_dma2 semaphore(%run_scoped3A : memref<!tpu.dma_semaphore, #tpu.memory_space<semaphore_mem>>) src(%arg7 : memref<640xf32, #tpu.memory_space<vmem>>) dst(%dma_wait3A_32 : memref<640xf32, #tpu.memory_space<vmem_shared>>)
      tpu.yield
    }) : () -> ()
    %barrier3A = arith.constant 0 : index
    tpu.barrier barrier_id(%barrier3A)
    %scan3A_17 = arith.constant 0 : i32
    %scan3A_18 = arith.constant 0 : i32
    %scan3A_19 = arith.constant 79 : i32
    %scan3A_20 = arith.addi %scan3A_18, %scan3A_19 : i32
    %scan3A_21 = arith.constant 1 : i32
    scf.for %scan3A_31 = %scan3A_18 to %scan3A_20 step %scan3A_21  : i32 {
      "tpu.region"() ({
        %run_scoped3A = tpu.sem_alloc : memref<!tpu.dma_semaphore, #tpu.memory_space<semaphore_mem>>
        %dma_start3A = arith.constant 0 : i32
        %dma_start3A_32 = tpu.memref_slice %arg5[%scan3A_31, %dma_start3A] : memref<79x128xi32, #tpu.memory_space<vmem>> -> memref<1x128xi32, #tpu.memory_space<vmem>>
        %dma_start3A_33 = tpu.memref_squeeze %dma_start3A_32 : memref<1x128xi32, #tpu.memory_space<vmem>> -> memref<128xi32, #tpu.memory_space<vmem>>
        %dma_start3A_34 = arith.constant 0 : i32
        %dma_start3A_35 = tpu.memref_slice %arg8[%dma_start3A_34] : memref<10240xf32, #tpu.memory_space<vmem_shared>> -> memref<10240xf32, #tpu.memory_space<vmem_shared>>
        tpu.enqueue_indirect_dma source(%arg6 : memref<128xf32, #tpu.memory_space<vmem>>) target(%dma_start3A_35 : memref<10240xf32, #tpu.memory_space<vmem_shared>>) offsets(%dma_start3A_33 : memref<128xi32, #tpu.memory_space<vmem>>) semaphore(%run_scoped3A : memref<!tpu.dma_semaphore, #tpu.memory_space<semaphore_mem>>) {add = true}
        %dma_wait3A = arith.constant 0 : i32
        %dma_wait3A_36 = tpu.memref_slice %arg5[%scan3A_31, %dma_wait3A] : memref<79x128xi32, #tpu.memory_space<vmem>> -> memref<1x128xi32, #tpu.memory_space<vmem>>
        %dma_wait3A_37 = tpu.memref_squeeze %dma_wait3A_36 : memref<1x128xi32, #tpu.memory_space<vmem>> -> memref<128xi32, #tpu.memory_space<vmem>>
        %dma_wait3A_38 = arith.constant 0 : i32
        %dma_wait3A_39 = tpu.memref_slice %arg8[%dma_wait3A_38] : memref<10240xf32, #tpu.memory_space<vmem_shared>> -> memref<10240xf32, #tpu.memory_space<vmem_shared>>
        tpu.wait_indirect_dma semaphore(%run_scoped3A : memref<!tpu.dma_semaphore, #tpu.memory_space<semaphore_mem>>) src(%arg6 : memref<128xf32, #tpu.memory_space<vmem>>) dst(%dma_wait3A_39 : memref<10240xf32, #tpu.memory_space<vmem_shared>>)
        tpu.yield
      }) : () -> ()
    }
    %scan3A_22 = arith.constant 79 : i32
    %barrier3A_23 = arith.constant 0 : index
    tpu.barrier barrier_id(%barrier3A_23)
    %eq3A = arith.constant 0 : i32
    %eq3A_24 = arith.cmpi eq, %arg0, %eq3A : i32
    %convert_element_type3A = arith.extui %eq3A_24 : i1 to i32
    %cond3A = arith.constant 0 : i32
    %cond3A_25 = arith.cmpi ne, %convert_element_type3A, %cond3A : i32
    scf.if %cond3A_25 {
      "tpu.region"() ({
        %run_scoped3A = tpu.sem_alloc : memref<!tpu.dma_semaphore, #tpu.memory_space<semaphore_mem>>
        %dma_start3A = tpu.memref_slice %arg3[%mul3A_2] : memref<10240xf32, #tpu.memory_space<hbm>> -> memref<640xf32, #tpu.memory_space<hbm>>
        %dma_start3A_31 = tpu.memref_slice %arg8[%mul3A_2] : memref<10240xf32, #tpu.memory_space<vmem_shared>> -> memref<640xf32, #tpu.memory_space<vmem_shared>>
        tpu.enqueue_dma source(%dma_start3A_31 : memref<640xf32, #tpu.memory_space<vmem_shared>>) target(%dma_start3A : memref<640xf32, #tpu.memory_space<hbm>>) target_semaphore(%run_scoped3A : memref<!tpu.dma_semaphore, #tpu.memory_space<semaphore_mem>>)
        %dma_wait3A = tpu.memref_slice %arg3[%mul3A_2] : memref<10240xf32, #tpu.memory_space<hbm>> -> memref<640xf32, #tpu.memory_space<hbm>>
        %dma_wait3A_32 = tpu.memref_slice %arg8[%mul3A_2] : memref<10240xf32, #tpu.memory_space<vmem_shared>> -> memref<640xf32, #tpu.memory_space<vmem_shared>>
        tpu.wait_dma2 semaphore(%run_scoped3A : memref<!tpu.dma_semaphore, #tpu.memory_space<semaphore_mem>>) src(%dma_wait3A_32 : memref<640xf32, #tpu.memory_space<vmem_shared>>) dst(%dma_wait3A : memref<640xf32, #tpu.memory_space<hbm>>)
        tpu.yield
      }) : () -> ()
    } else {
    }
    %eq3A_26 = arith.constant 1 : i32
    %eq3A_27 = arith.cmpi eq, %arg0, %eq3A_26 : i32
    %convert_element_type3A_28 = arith.extui %eq3A_27 : i1 to i32
    %cond3A_29 = arith.constant 0 : i32
    %cond3A_30 = arith.cmpi ne, %convert_element_type3A_28, %cond3A_29 : i32
    scf.if %cond3A_30 {
      "tpu.region"() ({
        %run_scoped3A = tpu.sem_alloc : memref<!tpu.dma_semaphore, #tpu.memory_space<semaphore_mem>>
        %dma_start3A = tpu.memref_slice %arg4[%mul3A_2] : memref<10240xf32, #tpu.memory_space<hbm>> -> memref<640xf32, #tpu.memory_space<hbm>>
        %dma_start3A_31 = tpu.memref_slice %arg8[%mul3A_2] : memref<10240xf32, #tpu.memory_space<vmem_shared>> -> memref<640xf32, #tpu.memory_space<vmem_shared>>
        tpu.enqueue_dma source(%dma_start3A_31 : memref<640xf32, #tpu.memory_space<vmem_shared>>) target(%dma_start3A : memref<640xf32, #tpu.memory_space<hbm>>) target_semaphore(%run_scoped3A : memref<!tpu.dma_semaphore, #tpu.memory_space<semaphore_mem>>)
        %dma_wait3A = tpu.memref_slice %arg4[%mul3A_2] : memref<10240xf32, #tpu.memory_space<hbm>> -> memref<640xf32, #tpu.memory_space<hbm>>
        %dma_wait3A_32 = tpu.memref_slice %arg8[%mul3A_2] : memref<10240xf32, #tpu.memory_space<vmem_shared>> -> memref<640xf32, #tpu.memory_space<vmem_shared>>
        tpu.wait_dma2 semaphore(%run_scoped3A : memref<!tpu.dma_semaphore, #tpu.memory_space<semaphore_mem>>) src(%dma_wait3A_32 : memref<640xf32, #tpu.memory_space<vmem_shared>>) dst(%dma_wait3A : memref<640xf32, #tpu.memory_space<hbm>>)
        tpu.yield
      }) : () -> ()
    } else {
    }
    return
  }
}

#map = affine_map<(d0, d1) -> (0, 0)>
#map1 = affine_map<(d0, d1) -> (0, 0, 0)>
module attributes {stable_mosaic.version = 14 : i64} {
  func.func @_agg_call(%arg0: i32, %arg1: i32, %arg2: memref<10240x128xf32, #tpu.memory_space<hbm>>, %arg3: memref<32x79x128xi32, #tpu.memory_space<hbm>>, %arg4: memref<32x79x128xi32, #tpu.memory_space<hbm>>, %arg5: memref<640x128xf32, #tpu.memory_space<hbm>>, %arg6: memref<10240x128xf32, #tpu.memory_space<hbm>>, %arg7: memref<10240x128xf32, #tpu.memory_space<hbm>>, %arg8: memref<79x128xi32, #tpu.memory_space<vmem>>, %arg9: memref<79x128xi32, #tpu.memory_space<vmem>>, %arg10: memref<128x128xf32, #tpu.memory_space<vmem>>, %arg11: memref<10240x128xf32, #tpu.memory_space<vmem_shared>>, %arg12: memref<!tpu.dma_semaphore, #tpu.memory_space<semaphore_mem>>) attributes {dimension_semantics = [#tpu.dimension_semantics<core_parallel>, #tpu.dimension_semantics<subcore_parallel>], iteration_bounds = array<i64: 2, 16>, scalar_prefetch = 0 : i64, scratch_operands = 5 : i64, tpu.core_type = #tpu.core_type<sc_vector_subcore>, window_params = [{transform_indices = #map}, {transform_indices = #map1}, {transform_indices = #map1}, {transform_indices = #map}, {transform_indices = #map}, {transform_indices = #map}]} {
    %mul3A = arith.constant 2 : i32
    %mul3A_0 = arith.muli %arg1, %mul3A : i32
    %add3A = arith.addi %mul3A_0, %arg0 : i32
    %mul3A_1 = arith.constant 640 : i32
    %mul3A_2 = arith.muli %arg1, %mul3A_1 : i32
    "tpu.region"() ({
      %run_scoped3A = tpu.sem_alloc : memref<!tpu.dma_semaphore, #tpu.memory_space<semaphore_mem>>
      %dma_start3A = arith.constant 0 : i32
      %dma_start3A_16 = arith.constant 0 : i32
      %dma_start3A_17 = tpu.memref_slice %arg3[%add3A, %dma_start3A, %dma_start3A_16] : memref<32x79x128xi32, #tpu.memory_space<hbm>> -> memref<1x79x128xi32, #tpu.memory_space<hbm>>
      %dma_start3A_18 = tpu.memref_squeeze %dma_start3A_17 : memref<1x79x128xi32, #tpu.memory_space<hbm>> -> memref<79x128xi32, #tpu.memory_space<hbm>>
      %dma_start3A_19 = arith.constant 0 : i32
      %dma_start3A_20 = arith.constant 0 : i32
      %dma_start3A_21 = tpu.memref_slice %arg3[%add3A, %dma_start3A_19, %dma_start3A_20] : memref<32x79x128xi32, #tpu.memory_space<hbm>> -> memref<1x79x128xi32, #tpu.memory_space<hbm>>
      %dma_start3A_22 = tpu.memref_squeeze %dma_start3A_21 : memref<1x79x128xi32, #tpu.memory_space<hbm>> -> memref<79x128xi32, #tpu.memory_space<hbm>>
      tpu.enqueue_dma source(%dma_start3A_22 : memref<79x128xi32, #tpu.memory_space<hbm>>) target(%arg8 : memref<79x128xi32, #tpu.memory_space<vmem>>) target_semaphore(%run_scoped3A : memref<!tpu.dma_semaphore, #tpu.memory_space<semaphore_mem>>)
      %dma_wait3A = arith.constant 0 : i32
      %dma_wait3A_23 = arith.constant 0 : i32
      %dma_wait3A_24 = tpu.memref_slice %arg3[%add3A, %dma_wait3A, %dma_wait3A_23] : memref<32x79x128xi32, #tpu.memory_space<hbm>> -> memref<1x79x128xi32, #tpu.memory_space<hbm>>
      %dma_wait3A_25 = tpu.memref_squeeze %dma_wait3A_24 : memref<1x79x128xi32, #tpu.memory_space<hbm>> -> memref<79x128xi32, #tpu.memory_space<hbm>>
      %dma_wait3A_26 = arith.constant 0 : i32
      %dma_wait3A_27 = arith.constant 0 : i32
      %dma_wait3A_28 = tpu.memref_slice %arg3[%add3A, %dma_wait3A_26, %dma_wait3A_27] : memref<32x79x128xi32, #tpu.memory_space<hbm>> -> memref<1x79x128xi32, #tpu.memory_space<hbm>>
      %dma_wait3A_29 = tpu.memref_squeeze %dma_wait3A_28 : memref<1x79x128xi32, #tpu.memory_space<hbm>> -> memref<79x128xi32, #tpu.memory_space<hbm>>
      tpu.wait_dma2 semaphore(%run_scoped3A : memref<!tpu.dma_semaphore, #tpu.memory_space<semaphore_mem>>) src(%dma_wait3A_29 : memref<79x128xi32, #tpu.memory_space<hbm>>) dst(%arg8 : memref<79x128xi32, #tpu.memory_space<vmem>>)
      tpu.yield
    }) : () -> ()
    "tpu.region"() ({
      %run_scoped3A = tpu.sem_alloc : memref<!tpu.dma_semaphore, #tpu.memory_space<semaphore_mem>>
      %dma_start3A = arith.constant 0 : i32
      %dma_start3A_16 = arith.constant 0 : i32
      %dma_start3A_17 = tpu.memref_slice %arg4[%add3A, %dma_start3A, %dma_start3A_16] : memref<32x79x128xi32, #tpu.memory_space<hbm>> -> memref<1x79x128xi32, #tpu.memory_space<hbm>>
      %dma_start3A_18 = tpu.memref_squeeze %dma_start3A_17 : memref<1x79x128xi32, #tpu.memory_space<hbm>> -> memref<79x128xi32, #tpu.memory_space<hbm>>
      %dma_start3A_19 = arith.constant 0 : i32
      %dma_start3A_20 = arith.constant 0 : i32
      %dma_start3A_21 = tpu.memref_slice %arg4[%add3A, %dma_start3A_19, %dma_start3A_20] : memref<32x79x128xi32, #tpu.memory_space<hbm>> -> memref<1x79x128xi32, #tpu.memory_space<hbm>>
      %dma_start3A_22 = tpu.memref_squeeze %dma_start3A_21 : memref<1x79x128xi32, #tpu.memory_space<hbm>> -> memref<79x128xi32, #tpu.memory_space<hbm>>
      tpu.enqueue_dma source(%dma_start3A_22 : memref<79x128xi32, #tpu.memory_space<hbm>>) target(%arg9 : memref<79x128xi32, #tpu.memory_space<vmem>>) target_semaphore(%run_scoped3A : memref<!tpu.dma_semaphore, #tpu.memory_space<semaphore_mem>>)
      %dma_wait3A = arith.constant 0 : i32
      %dma_wait3A_23 = arith.constant 0 : i32
      %dma_wait3A_24 = tpu.memref_slice %arg4[%add3A, %dma_wait3A, %dma_wait3A_23] : memref<32x79x128xi32, #tpu.memory_space<hbm>> -> memref<1x79x128xi32, #tpu.memory_space<hbm>>
      %dma_wait3A_25 = tpu.memref_squeeze %dma_wait3A_24 : memref<1x79x128xi32, #tpu.memory_space<hbm>> -> memref<79x128xi32, #tpu.memory_space<hbm>>
      %dma_wait3A_26 = arith.constant 0 : i32
      %dma_wait3A_27 = arith.constant 0 : i32
      %dma_wait3A_28 = tpu.memref_slice %arg4[%add3A, %dma_wait3A_26, %dma_wait3A_27] : memref<32x79x128xi32, #tpu.memory_space<hbm>> -> memref<1x79x128xi32, #tpu.memory_space<hbm>>
      %dma_wait3A_29 = tpu.memref_squeeze %dma_wait3A_28 : memref<1x79x128xi32, #tpu.memory_space<hbm>> -> memref<79x128xi32, #tpu.memory_space<hbm>>
      tpu.wait_dma2 semaphore(%run_scoped3A : memref<!tpu.dma_semaphore, #tpu.memory_space<semaphore_mem>>) src(%dma_wait3A_29 : memref<79x128xi32, #tpu.memory_space<hbm>>) dst(%arg9 : memref<79x128xi32, #tpu.memory_space<vmem>>)
      tpu.yield
    }) : () -> ()
    "tpu.region"() ({
      %run_scoped3A = tpu.sem_alloc : memref<!tpu.dma_semaphore, #tpu.memory_space<semaphore_mem>>
      %dma_start3A = arith.constant 0 : i32
      %dma_start3A_16 = tpu.memref_slice %arg11[%mul3A_2, %dma_start3A] : memref<10240x128xf32, #tpu.memory_space<vmem_shared>> -> memref<640x128xf32, #tpu.memory_space<vmem_shared>>
      tpu.enqueue_dma source(%arg5 : memref<640x128xf32, #tpu.memory_space<hbm>>) target(%dma_start3A_16 : memref<640x128xf32, #tpu.memory_space<vmem_shared>>) target_semaphore(%run_scoped3A : memref<!tpu.dma_semaphore, #tpu.memory_space<semaphore_mem>>)
      %dma_wait3A = arith.constant 0 : i32
      %dma_wait3A_17 = tpu.memref_slice %arg11[%mul3A_2, %dma_wait3A] : memref<10240x128xf32, #tpu.memory_space<vmem_shared>> -> memref<640x128xf32, #tpu.memory_space<vmem_shared>>
      tpu.wait_dma2 semaphore(%run_scoped3A : memref<!tpu.dma_semaphore, #tpu.memory_space<semaphore_mem>>) src(%arg5 : memref<640x128xf32, #tpu.memory_space<hbm>>) dst(%dma_wait3A_17 : memref<640x128xf32, #tpu.memory_space<vmem_shared>>)
      tpu.yield
    }) : () -> ()
    %barrier3A = arith.constant 0 : index
    tpu.barrier barrier_id(%barrier3A)
    %scan3A = arith.constant 0 : i32
    %scan3A_3 = arith.constant 0 : i32
    %scan3A_4 = arith.constant 79 : i32
    %scan3A_5 = arith.addi %scan3A_3, %scan3A_4 : i32
    %scan3A_6 = arith.constant 1 : i32
    scf.for %scan3A_16 = %scan3A_3 to %scan3A_5 step %scan3A_6  : i32 {
      %dma_start3A = arith.constant 0 : i32
      %dma_start3A_17 = tpu.memref_slice %arg8[%scan3A_16, %dma_start3A] : memref<79x128xi32, #tpu.memory_space<vmem>> -> memref<1x128xi32, #tpu.memory_space<vmem>>
      %dma_start3A_18 = tpu.memref_squeeze %dma_start3A_17 : memref<1x128xi32, #tpu.memory_space<vmem>> -> memref<128xi32, #tpu.memory_space<vmem>>
      %dma_start3A_19 = arith.constant 0 : i32
      %dma_start3A_20 = arith.constant 0 : i32
      %dma_start3A_21 = tpu.memref_slice %arg2[%dma_start3A_19, %dma_start3A_20] : memref<10240x128xf32, #tpu.memory_space<hbm>> -> memref<10240x128xf32, #tpu.memory_space<hbm>>
      tpu.enqueue_indirect_dma source(%dma_start3A_21 : memref<10240x128xf32, #tpu.memory_space<hbm>>) target(%arg10 : memref<128x128xf32, #tpu.memory_space<vmem>>) offsets(%dma_start3A_18 : memref<128xi32, #tpu.memory_space<vmem>>) semaphore(%arg12 : memref<!tpu.dma_semaphore, #tpu.memory_space<semaphore_mem>>)
      %dma_wait3A = arith.constant 0 : i32
      %dma_wait3A_22 = tpu.memref_slice %arg8[%scan3A_16, %dma_wait3A] : memref<79x128xi32, #tpu.memory_space<vmem>> -> memref<1x128xi32, #tpu.memory_space<vmem>>
      %dma_wait3A_23 = tpu.memref_squeeze %dma_wait3A_22 : memref<1x128xi32, #tpu.memory_space<vmem>> -> memref<128xi32, #tpu.memory_space<vmem>>
      %dma_wait3A_24 = arith.constant 0 : i32
      %dma_wait3A_25 = arith.constant 0 : i32
      %dma_wait3A_26 = tpu.memref_slice %arg2[%dma_wait3A_24, %dma_wait3A_25] : memref<10240x128xf32, #tpu.memory_space<hbm>> -> memref<10240x128xf32, #tpu.memory_space<hbm>>
      tpu.wait_indirect_dma semaphore(%arg12 : memref<!tpu.dma_semaphore, #tpu.memory_space<semaphore_mem>>) src(%dma_wait3A_26 : memref<10240x128xf32, #tpu.memory_space<hbm>>) dst(%arg10 : memref<128x128xf32, #tpu.memory_space<vmem>>)
      "tpu.region"() ({
        %run_scoped3A = tpu.sem_alloc : memref<!tpu.dma_semaphore, #tpu.memory_space<semaphore_mem>>
        %dma_start3A_27 = arith.constant 0 : i32
        %dma_start3A_28 = tpu.memref_slice %arg9[%scan3A_16, %dma_start3A_27] : memref<79x128xi32, #tpu.memory_space<vmem>> -> memref<1x128xi32, #tpu.memory_space<vmem>>
        %dma_start3A_29 = tpu.memref_squeeze %dma_start3A_28 : memref<1x128xi32, #tpu.memory_space<vmem>> -> memref<128xi32, #tpu.memory_space<vmem>>
        %dma_start3A_30 = arith.constant 0 : i32
        %dma_start3A_31 = arith.constant 0 : i32
        %dma_start3A_32 = tpu.memref_slice %arg11[%dma_start3A_30, %dma_start3A_31] : memref<10240x128xf32, #tpu.memory_space<vmem_shared>> -> memref<10240x128xf32, #tpu.memory_space<vmem_shared>>
        tpu.enqueue_indirect_dma source(%arg10 : memref<128x128xf32, #tpu.memory_space<vmem>>) target(%dma_start3A_32 : memref<10240x128xf32, #tpu.memory_space<vmem_shared>>) offsets(%dma_start3A_29 : memref<128xi32, #tpu.memory_space<vmem>>) semaphore(%run_scoped3A : memref<!tpu.dma_semaphore, #tpu.memory_space<semaphore_mem>>) {add = true}
        %dma_wait3A_33 = arith.constant 0 : i32
        %dma_wait3A_34 = tpu.memref_slice %arg9[%scan3A_16, %dma_wait3A_33] : memref<79x128xi32, #tpu.memory_space<vmem>> -> memref<1x128xi32, #tpu.memory_space<vmem>>
        %dma_wait3A_35 = tpu.memref_squeeze %dma_wait3A_34 : memref<1x128xi32, #tpu.memory_space<vmem>> -> memref<128xi32, #tpu.memory_space<vmem>>
        %dma_wait3A_36 = arith.constant 0 : i32
        %dma_wait3A_37 = arith.constant 0 : i32
        %dma_wait3A_38 = tpu.memref_slice %arg11[%dma_wait3A_36, %dma_wait3A_37] : memref<10240x128xf32, #tpu.memory_space<vmem_shared>> -> memref<10240x128xf32, #tpu.memory_space<vmem_shared>>
        tpu.wait_indirect_dma semaphore(%run_scoped3A : memref<!tpu.dma_semaphore, #tpu.memory_space<semaphore_mem>>) src(%arg10 : memref<128x128xf32, #tpu.memory_space<vmem>>) dst(%dma_wait3A_38 : memref<10240x128xf32, #tpu.memory_space<vmem_shared>>)
        tpu.yield
      }) : () -> ()
    }
    %scan3A_7 = arith.constant 79 : i32
    %barrier3A_8 = arith.constant 0 : index
    tpu.barrier barrier_id(%barrier3A_8)
    %eq3A = arith.constant 0 : i32
    %eq3A_9 = arith.cmpi eq, %arg0, %eq3A : i32
    %convert_element_type3A = arith.extui %eq3A_9 : i1 to i32
    %cond3A = arith.constant 0 : i32
    %cond3A_10 = arith.cmpi ne, %convert_element_type3A, %cond3A : i32
    scf.if %cond3A_10 {
      "tpu.region"() ({
        %run_scoped3A = tpu.sem_alloc : memref<!tpu.dma_semaphore, #tpu.memory_space<semaphore_mem>>
        %dma_start3A = arith.constant 0 : i32
        %dma_start3A_16 = tpu.memref_slice %arg6[%mul3A_2, %dma_start3A] : memref<10240x128xf32, #tpu.memory_space<hbm>> -> memref<640x128xf32, #tpu.memory_space<hbm>>
        %dma_start3A_17 = arith.constant 0 : i32
        %dma_start3A_18 = tpu.memref_slice %arg11[%mul3A_2, %dma_start3A_17] : memref<10240x128xf32, #tpu.memory_space<vmem_shared>> -> memref<640x128xf32, #tpu.memory_space<vmem_shared>>
        tpu.enqueue_dma source(%dma_start3A_18 : memref<640x128xf32, #tpu.memory_space<vmem_shared>>) target(%dma_start3A_16 : memref<640x128xf32, #tpu.memory_space<hbm>>) target_semaphore(%run_scoped3A : memref<!tpu.dma_semaphore, #tpu.memory_space<semaphore_mem>>)
        %dma_wait3A = arith.constant 0 : i32
        %dma_wait3A_19 = tpu.memref_slice %arg6[%mul3A_2, %dma_wait3A] : memref<10240x128xf32, #tpu.memory_space<hbm>> -> memref<640x128xf32, #tpu.memory_space<hbm>>
        %dma_wait3A_20 = arith.constant 0 : i32
        %dma_wait3A_21 = tpu.memref_slice %arg11[%mul3A_2, %dma_wait3A_20] : memref<10240x128xf32, #tpu.memory_space<vmem_shared>> -> memref<640x128xf32, #tpu.memory_space<vmem_shared>>
        tpu.wait_dma2 semaphore(%run_scoped3A : memref<!tpu.dma_semaphore, #tpu.memory_space<semaphore_mem>>) src(%dma_wait3A_21 : memref<640x128xf32, #tpu.memory_space<vmem_shared>>) dst(%dma_wait3A_19 : memref<640x128xf32, #tpu.memory_space<hbm>>)
        tpu.yield
      }) : () -> ()
    } else {
    }
    %eq3A_11 = arith.constant 1 : i32
    %eq3A_12 = arith.cmpi eq, %arg0, %eq3A_11 : i32
    %convert_element_type3A_13 = arith.extui %eq3A_12 : i1 to i32
    %cond3A_14 = arith.constant 0 : i32
    %cond3A_15 = arith.cmpi ne, %convert_element_type3A_13, %cond3A_14 : i32
    scf.if %cond3A_15 {
      "tpu.region"() ({
        %run_scoped3A = tpu.sem_alloc : memref<!tpu.dma_semaphore, #tpu.memory_space<semaphore_mem>>
        %dma_start3A = arith.constant 0 : i32
        %dma_start3A_16 = tpu.memref_slice %arg7[%mul3A_2, %dma_start3A] : memref<10240x128xf32, #tpu.memory_space<hbm>> -> memref<640x128xf32, #tpu.memory_space<hbm>>
        %dma_start3A_17 = arith.constant 0 : i32
        %dma_start3A_18 = tpu.memref_slice %arg11[%mul3A_2, %dma_start3A_17] : memref<10240x128xf32, #tpu.memory_space<vmem_shared>> -> memref<640x128xf32, #tpu.memory_space<vmem_shared>>
        tpu.enqueue_dma source(%dma_start3A_18 : memref<640x128xf32, #tpu.memory_space<vmem_shared>>) target(%dma_start3A_16 : memref<640x128xf32, #tpu.memory_space<hbm>>) target_semaphore(%run_scoped3A : memref<!tpu.dma_semaphore, #tpu.memory_space<semaphore_mem>>)
        %dma_wait3A = arith.constant 0 : i32
        %dma_wait3A_19 = tpu.memref_slice %arg7[%mul3A_2, %dma_wait3A] : memref<10240x128xf32, #tpu.memory_space<hbm>> -> memref<640x128xf32, #tpu.memory_space<hbm>>
        %dma_wait3A_20 = arith.constant 0 : i32
        %dma_wait3A_21 = tpu.memref_slice %arg11[%mul3A_2, %dma_wait3A_20] : memref<10240x128xf32, #tpu.memory_space<vmem_shared>> -> memref<640x128xf32, #tpu.memory_space<vmem_shared>>
        tpu.wait_dma2 semaphore(%run_scoped3A : memref<!tpu.dma_semaphore, #tpu.memory_space<semaphore_mem>>) src(%dma_wait3A_21 : memref<640x128xf32, #tpu.memory_space<vmem_shared>>) dst(%dma_wait3A_19 : memref<640x128xf32, #tpu.memory_space<hbm>>)
        tpu.yield
      }) : () -> ()
    } else {
    }
    return
  }
}

#map = affine_map<(d0, d1) -> (0, 0)>
#map1 = affine_map<(d0, d1) -> (0, 0, 0)>
module attributes {stable_mosaic.version = 14 : i64} {
  func.func @_agg_call(%arg0: i32, %arg1: i32, %arg2: memref<10240x128xf32, #tpu.memory_space<hbm>>, %arg3: memref<32x79x128xi32, #tpu.memory_space<hbm>>, %arg4: memref<32x79x128xi32, #tpu.memory_space<hbm>>, %arg5: memref<640x128xf32, #tpu.memory_space<hbm>>, %arg6: memref<10240x128xf32, #tpu.memory_space<hbm>>, %arg7: memref<10240x128xf32, #tpu.memory_space<hbm>>, %arg8: memref<79x128xi32, #tpu.memory_space<vmem>>, %arg9: memref<79x128xi32, #tpu.memory_space<vmem>>, %arg10: memref<128x128xf32, #tpu.memory_space<vmem>>, %arg11: memref<10240x128xf32, #tpu.memory_space<vmem_shared>>, %arg12: memref<!tpu.dma_semaphore, #tpu.memory_space<semaphore_mem>>) attributes {dimension_semantics = [#tpu.dimension_semantics<core_parallel>, #tpu.dimension_semantics<subcore_parallel>], iteration_bounds = array<i64: 2, 16>, scalar_prefetch = 0 : i64, scratch_operands = 5 : i64, tpu.core_type = #tpu.core_type<sc_vector_subcore>, window_params = [{transform_indices = #map}, {transform_indices = #map1}, {transform_indices = #map1}, {transform_indices = #map}, {transform_indices = #map}, {transform_indices = #map}]} {
    %mul3A = arith.constant 2 : i32
    %mul3A_0 = arith.muli %arg1, %mul3A : i32
    %add3A = arith.addi %mul3A_0, %arg0 : i32
    %mul3A_1 = arith.constant 640 : i32
    %mul3A_2 = arith.muli %arg1, %mul3A_1 : i32
    "tpu.region"() ({
      %run_scoped3A = tpu.sem_alloc : memref<!tpu.dma_semaphore, #tpu.memory_space<semaphore_mem>>
      %dma_start3A = arith.constant 0 : i32
      %dma_start3A_16 = arith.constant 0 : i32
      %dma_start3A_17 = tpu.memref_slice %arg3[%add3A, %dma_start3A, %dma_start3A_16] : memref<32x79x128xi32, #tpu.memory_space<hbm>> -> memref<1x79x128xi32, #tpu.memory_space<hbm>>
      %dma_start3A_18 = tpu.memref_squeeze %dma_start3A_17 : memref<1x79x128xi32, #tpu.memory_space<hbm>> -> memref<79x128xi32, #tpu.memory_space<hbm>>
      %dma_start3A_19 = arith.constant 0 : i32
      %dma_start3A_20 = arith.constant 0 : i32
      %dma_start3A_21 = tpu.memref_slice %arg3[%add3A, %dma_start3A_19, %dma_start3A_20] : memref<32x79x128xi32, #tpu.memory_space<hbm>> -> memref<1x79x128xi32, #tpu.memory_space<hbm>>
      %dma_start3A_22 = tpu.memref_squeeze %dma_start3A_21 : memref<1x79x128xi32, #tpu.memory_space<hbm>> -> memref<79x128xi32, #tpu.memory_space<hbm>>
      tpu.enqueue_dma source(%dma_start3A_22 : memref<79x128xi32, #tpu.memory_space<hbm>>) target(%arg8 : memref<79x128xi32, #tpu.memory_space<vmem>>) target_semaphore(%run_scoped3A : memref<!tpu.dma_semaphore, #tpu.memory_space<semaphore_mem>>)
      %dma_wait3A = arith.constant 0 : i32
      %dma_wait3A_23 = arith.constant 0 : i32
      %dma_wait3A_24 = tpu.memref_slice %arg3[%add3A, %dma_wait3A, %dma_wait3A_23] : memref<32x79x128xi32, #tpu.memory_space<hbm>> -> memref<1x79x128xi32, #tpu.memory_space<hbm>>
      %dma_wait3A_25 = tpu.memref_squeeze %dma_wait3A_24 : memref<1x79x128xi32, #tpu.memory_space<hbm>> -> memref<79x128xi32, #tpu.memory_space<hbm>>
      %dma_wait3A_26 = arith.constant 0 : i32
      %dma_wait3A_27 = arith.constant 0 : i32
      %dma_wait3A_28 = tpu.memref_slice %arg3[%add3A, %dma_wait3A_26, %dma_wait3A_27] : memref<32x79x128xi32, #tpu.memory_space<hbm>> -> memref<1x79x128xi32, #tpu.memory_space<hbm>>
      %dma_wait3A_29 = tpu.memref_squeeze %dma_wait3A_28 : memref<1x79x128xi32, #tpu.memory_space<hbm>> -> memref<79x128xi32, #tpu.memory_space<hbm>>
      tpu.wait_dma2 semaphore(%run_scoped3A : memref<!tpu.dma_semaphore, #tpu.memory_space<semaphore_mem>>) src(%dma_wait3A_29 : memref<79x128xi32, #tpu.memory_space<hbm>>) dst(%arg8 : memref<79x128xi32, #tpu.memory_space<vmem>>)
      tpu.yield
    }) : () -> ()
    "tpu.region"() ({
      %run_scoped3A = tpu.sem_alloc : memref<!tpu.dma_semaphore, #tpu.memory_space<semaphore_mem>>
      %dma_start3A = arith.constant 0 : i32
      %dma_start3A_16 = arith.constant 0 : i32
      %dma_start3A_17 = tpu.memref_slice %arg4[%add3A, %dma_start3A, %dma_start3A_16] : memref<32x79x128xi32, #tpu.memory_space<hbm>> -> memref<1x79x128xi32, #tpu.memory_space<hbm>>
      %dma_start3A_18 = tpu.memref_squeeze %dma_start3A_17 : memref<1x79x128xi32, #tpu.memory_space<hbm>> -> memref<79x128xi32, #tpu.memory_space<hbm>>
      %dma_start3A_19 = arith.constant 0 : i32
      %dma_start3A_20 = arith.constant 0 : i32
      %dma_start3A_21 = tpu.memref_slice %arg4[%add3A, %dma_start3A_19, %dma_start3A_20] : memref<32x79x128xi32, #tpu.memory_space<hbm>> -> memref<1x79x128xi32, #tpu.memory_space<hbm>>
      %dma_start3A_22 = tpu.memref_squeeze %dma_start3A_21 : memref<1x79x128xi32, #tpu.memory_space<hbm>> -> memref<79x128xi32, #tpu.memory_space<hbm>>
      tpu.enqueue_dma source(%dma_start3A_22 : memref<79x128xi32, #tpu.memory_space<hbm>>) target(%arg9 : memref<79x128xi32, #tpu.memory_space<vmem>>) target_semaphore(%run_scoped3A : memref<!tpu.dma_semaphore, #tpu.memory_space<semaphore_mem>>)
      %dma_wait3A = arith.constant 0 : i32
      %dma_wait3A_23 = arith.constant 0 : i32
      %dma_wait3A_24 = tpu.memref_slice %arg4[%add3A, %dma_wait3A, %dma_wait3A_23] : memref<32x79x128xi32, #tpu.memory_space<hbm>> -> memref<1x79x128xi32, #tpu.memory_space<hbm>>
      %dma_wait3A_25 = tpu.memref_squeeze %dma_wait3A_24 : memref<1x79x128xi32, #tpu.memory_space<hbm>> -> memref<79x128xi32, #tpu.memory_space<hbm>>
      %dma_wait3A_26 = arith.constant 0 : i32
      %dma_wait3A_27 = arith.constant 0 : i32
      %dma_wait3A_28 = tpu.memref_slice %arg4[%add3A, %dma_wait3A_26, %dma_wait3A_27] : memref<32x79x128xi32, #tpu.memory_space<hbm>> -> memref<1x79x128xi32, #tpu.memory_space<hbm>>
      %dma_wait3A_29 = tpu.memref_squeeze %dma_wait3A_28 : memref<1x79x128xi32, #tpu.memory_space<hbm>> -> memref<79x128xi32, #tpu.memory_space<hbm>>
      tpu.wait_dma2 semaphore(%run_scoped3A : memref<!tpu.dma_semaphore, #tpu.memory_space<semaphore_mem>>) src(%dma_wait3A_29 : memref<79x128xi32, #tpu.memory_space<hbm>>) dst(%arg9 : memref<79x128xi32, #tpu.memory_space<vmem>>)
      tpu.yield
    }) : () -> ()
    "tpu.region"() ({
      %run_scoped3A = tpu.sem_alloc : memref<!tpu.dma_semaphore, #tpu.memory_space<semaphore_mem>>
      %dma_start3A = arith.constant 0 : i32
      %dma_start3A_16 = tpu.memref_slice %arg11[%mul3A_2, %dma_start3A] : memref<10240x128xf32, #tpu.memory_space<vmem_shared>> -> memref<640x128xf32, #tpu.memory_space<vmem_shared>>
      tpu.enqueue_dma source(%arg5 : memref<640x128xf32, #tpu.memory_space<hbm>>) target(%dma_start3A_16 : memref<640x128xf32, #tpu.memory_space<vmem_shared>>) target_semaphore(%run_scoped3A : memref<!tpu.dma_semaphore, #tpu.memory_space<semaphore_mem>>)
      %dma_wait3A = arith.constant 0 : i32
      %dma_wait3A_17 = tpu.memref_slice %arg11[%mul3A_2, %dma_wait3A] : memref<10240x128xf32, #tpu.memory_space<vmem_shared>> -> memref<640x128xf32, #tpu.memory_space<vmem_shared>>
      tpu.wait_dma2 semaphore(%run_scoped3A : memref<!tpu.dma_semaphore, #tpu.memory_space<semaphore_mem>>) src(%arg5 : memref<640x128xf32, #tpu.memory_space<hbm>>) dst(%dma_wait3A_17 : memref<640x128xf32, #tpu.memory_space<vmem_shared>>)
      tpu.yield
    }) : () -> ()
    %barrier3A = arith.constant 0 : index
    tpu.barrier barrier_id(%barrier3A)
    %scan3A = arith.constant 0 : i32
    %scan3A_3 = arith.constant 0 : i32
    %scan3A_4 = arith.constant 79 : i32
    %scan3A_5 = arith.addi %scan3A_3, %scan3A_4 : i32
    %scan3A_6 = arith.constant 1 : i32
    scf.for %scan3A_16 = %scan3A_3 to %scan3A_5 step %scan3A_6  : i32 {
      %dma_start3A = arith.constant 0 : i32
      %dma_start3A_17 = tpu.memref_slice %arg8[%scan3A_16, %dma_start3A] : memref<79x128xi32, #tpu.memory_space<vmem>> -> memref<1x128xi32, #tpu.memory_space<vmem>>
      %dma_start3A_18 = tpu.memref_squeeze %dma_start3A_17 : memref<1x128xi32, #tpu.memory_space<vmem>> -> memref<128xi32, #tpu.memory_space<vmem>>
      %dma_start3A_19 = arith.constant 0 : i32
      %dma_start3A_20 = arith.constant 0 : i32
      %dma_start3A_21 = tpu.memref_slice %arg2[%dma_start3A_19, %dma_start3A_20] : memref<10240x128xf32, #tpu.memory_space<hbm>> -> memref<10240x128xf32, #tpu.memory_space<hbm>>
      tpu.enqueue_indirect_dma source(%dma_start3A_21 : memref<10240x128xf32, #tpu.memory_space<hbm>>) target(%arg10 : memref<128x128xf32, #tpu.memory_space<vmem>>) offsets(%dma_start3A_18 : memref<128xi32, #tpu.memory_space<vmem>>) semaphore(%arg12 : memref<!tpu.dma_semaphore, #tpu.memory_space<semaphore_mem>>)
      %dma_wait3A = arith.constant 0 : i32
      %dma_wait3A_22 = tpu.memref_slice %arg8[%scan3A_16, %dma_wait3A] : memref<79x128xi32, #tpu.memory_space<vmem>> -> memref<1x128xi32, #tpu.memory_space<vmem>>
      %dma_wait3A_23 = tpu.memref_squeeze %dma_wait3A_22 : memref<1x128xi32, #tpu.memory_space<vmem>> -> memref<128xi32, #tpu.memory_space<vmem>>
      %dma_wait3A_24 = arith.constant 0 : i32
      %dma_wait3A_25 = arith.constant 0 : i32
      %dma_wait3A_26 = tpu.memref_slice %arg2[%dma_wait3A_24, %dma_wait3A_25] : memref<10240x128xf32, #tpu.memory_space<hbm>> -> memref<10240x128xf32, #tpu.memory_space<hbm>>
      tpu.wait_indirect_dma semaphore(%arg12 : memref<!tpu.dma_semaphore, #tpu.memory_space<semaphore_mem>>) src(%dma_wait3A_26 : memref<10240x128xf32, #tpu.memory_space<hbm>>) dst(%arg10 : memref<128x128xf32, #tpu.memory_space<vmem>>)
      "tpu.region"() ({
        %run_scoped3A = tpu.sem_alloc : memref<!tpu.dma_semaphore, #tpu.memory_space<semaphore_mem>>
        %dma_start3A_27 = arith.constant 0 : i32
        %dma_start3A_28 = tpu.memref_slice %arg9[%scan3A_16, %dma_start3A_27] : memref<79x128xi32, #tpu.memory_space<vmem>> -> memref<1x128xi32, #tpu.memory_space<vmem>>
        %dma_start3A_29 = tpu.memref_squeeze %dma_start3A_28 : memref<1x128xi32, #tpu.memory_space<vmem>> -> memref<128xi32, #tpu.memory_space<vmem>>
        %dma_start3A_30 = arith.constant 0 : i32
        %dma_start3A_31 = arith.constant 0 : i32
        %dma_start3A_32 = tpu.memref_slice %arg11[%dma_start3A_30, %dma_start3A_31] : memref<10240x128xf32, #tpu.memory_space<vmem_shared>> -> memref<10240x128xf32, #tpu.memory_space<vmem_shared>>
        tpu.enqueue_indirect_dma source(%arg10 : memref<128x128xf32, #tpu.memory_space<vmem>>) target(%dma_start3A_32 : memref<10240x128xf32, #tpu.memory_space<vmem_shared>>) offsets(%dma_start3A_29 : memref<128xi32, #tpu.memory_space<vmem>>) semaphore(%run_scoped3A : memref<!tpu.dma_semaphore, #tpu.memory_space<semaphore_mem>>) {add = true}
        %dma_wait3A_33 = arith.constant 0 : i32
        %dma_wait3A_34 = tpu.memref_slice %arg9[%scan3A_16, %dma_wait3A_33] : memref<79x128xi32, #tpu.memory_space<vmem>> -> memref<1x128xi32, #tpu.memory_space<vmem>>
        %dma_wait3A_35 = tpu.memref_squeeze %dma_wait3A_34 : memref<1x128xi32, #tpu.memory_space<vmem>> -> memref<128xi32, #tpu.memory_space<vmem>>
        %dma_wait3A_36 = arith.constant 0 : i32
        %dma_wait3A_37 = arith.constant 0 : i32
        %dma_wait3A_38 = tpu.memref_slice %arg11[%dma_wait3A_36, %dma_wait3A_37] : memref<10240x128xf32, #tpu.memory_space<vmem_shared>> -> memref<10240x128xf32, #tpu.memory_space<vmem_shared>>
        tpu.wait_indirect_dma semaphore(%run_scoped3A : memref<!tpu.dma_semaphore, #tpu.memory_space<semaphore_mem>>) src(%arg10 : memref<128x128xf32, #tpu.memory_space<vmem>>) dst(%dma_wait3A_38 : memref<10240x128xf32, #tpu.memory_space<vmem_shared>>)
        tpu.yield
      }) : () -> ()
    }
    %scan3A_7 = arith.constant 79 : i32
    %barrier3A_8 = arith.constant 0 : index
    tpu.barrier barrier_id(%barrier3A_8)
    %eq3A = arith.constant 0 : i32
    %eq3A_9 = arith.cmpi eq, %arg0, %eq3A : i32
    %convert_element_type3A = arith.extui %eq3A_9 : i1 to i32
    %cond3A = arith.constant 0 : i32
    %cond3A_10 = arith.cmpi ne, %convert_element_type3A, %cond3A : i32
    scf.if %cond3A_10 {
      "tpu.region"() ({
        %run_scoped3A = tpu.sem_alloc : memref<!tpu.dma_semaphore, #tpu.memory_space<semaphore_mem>>
        %dma_start3A = arith.constant 0 : i32
        %dma_start3A_16 = tpu.memref_slice %arg6[%mul3A_2, %dma_start3A] : memref<10240x128xf32, #tpu.memory_space<hbm>> -> memref<640x128xf32, #tpu.memory_space<hbm>>
        %dma_start3A_17 = arith.constant 0 : i32
        %dma_start3A_18 = tpu.memref_slice %arg11[%mul3A_2, %dma_start3A_17] : memref<10240x128xf32, #tpu.memory_space<vmem_shared>> -> memref<640x128xf32, #tpu.memory_space<vmem_shared>>
        tpu.enqueue_dma source(%dma_start3A_18 : memref<640x128xf32, #tpu.memory_space<vmem_shared>>) target(%dma_start3A_16 : memref<640x128xf32, #tpu.memory_space<hbm>>) target_semaphore(%run_scoped3A : memref<!tpu.dma_semaphore, #tpu.memory_space<semaphore_mem>>)
        %dma_wait3A = arith.constant 0 : i32
        %dma_wait3A_19 = tpu.memref_slice %arg6[%mul3A_2, %dma_wait3A] : memref<10240x128xf32, #tpu.memory_space<hbm>> -> memref<640x128xf32, #tpu.memory_space<hbm>>
        %dma_wait3A_20 = arith.constant 0 : i32
        %dma_wait3A_21 = tpu.memref_slice %arg11[%mul3A_2, %dma_wait3A_20] : memref<10240x128xf32, #tpu.memory_space<vmem_shared>> -> memref<640x128xf32, #tpu.memory_space<vmem_shared>>
        tpu.wait_dma2 semaphore(%run_scoped3A : memref<!tpu.dma_semaphore, #tpu.memory_space<semaphore_mem>>) src(%dma_wait3A_21 : memref<640x128xf32, #tpu.memory_space<vmem_shared>>) dst(%dma_wait3A_19 : memref<640x128xf32, #tpu.memory_space<hbm>>)
        tpu.yield
      }) : () -> ()
    } else {
    }
    %eq3A_11 = arith.constant 1 : i32
    %eq3A_12 = arith.cmpi eq, %arg0, %eq3A_11 : i32
    %convert_element_type3A_13 = arith.extui %eq3A_12 : i1 to i32
    %cond3A_14 = arith.constant 0 : i32
    %cond3A_15 = arith.cmpi ne, %convert_element_type3A_13, %cond3A_14 : i32
    scf.if %cond3A_15 {
      "tpu.region"() ({
        %run_scoped3A = tpu.sem_alloc : memref<!tpu.dma_semaphore, #tpu.memory_space<semaphore_mem>>
        %dma_start3A = arith.constant 0 : i32
        %dma_start3A_16 = tpu.memref_slice %arg7[%mul3A_2, %dma_start3A] : memref<10240x128xf32, #tpu.memory_space<hbm>> -> memref<640x128xf32, #tpu.memory_space<hbm>>
        %dma_start3A_17 = arith.constant 0 : i32
        %dma_start3A_18 = tpu.memref_slice %arg11[%mul3A_2, %dma_start3A_17] : memref<10240x128xf32, #tpu.memory_space<vmem_shared>> -> memref<640x128xf32, #tpu.memory_space<vmem_shared>>
        tpu.enqueue_dma source(%dma_start3A_18 : memref<640x128xf32, #tpu.memory_space<vmem_shared>>) target(%dma_start3A_16 : memref<640x128xf32, #tpu.memory_space<hbm>>) target_semaphore(%run_scoped3A : memref<!tpu.dma_semaphore, #tpu.memory_space<semaphore_mem>>)
        %dma_wait3A = arith.constant 0 : i32
        %dma_wait3A_19 = tpu.memref_slice %arg7[%mul3A_2, %dma_wait3A] : memref<10240x128xf32, #tpu.memory_space<hbm>> -> memref<640x128xf32, #tpu.memory_space<hbm>>
        %dma_wait3A_20 = arith.constant 0 : i32
        %dma_wait3A_21 = tpu.memref_slice %arg11[%mul3A_2, %dma_wait3A_20] : memref<10240x128xf32, #tpu.memory_space<vmem_shared>> -> memref<640x128xf32, #tpu.memory_space<vmem_shared>>
        tpu.wait_dma2 semaphore(%run_scoped3A : memref<!tpu.dma_semaphore, #tpu.memory_space<semaphore_mem>>) src(%dma_wait3A_21 : memref<640x128xf32, #tpu.memory_space<vmem_shared>>) dst(%dma_wait3A_19 : memref<640x128xf32, #tpu.memory_space<hbm>>)
        tpu.yield
      }) : () -> ()
    } else {
    }
    return
  }
}

module attributes {stable_mosaic.version = 14 : i64} {
  func.func @_tc1_body(%arg0: i32, %arg1: memref<1024x1xf32, #tpu.memory_space<vmem>>, %arg2: memref<1024x1xf32, #tpu.memory_space<vmem>>, %arg3: memref<1024x128xf32, #tpu.memory_space<vmem>>, %arg4: memref<128x128xf32, #tpu.memory_space<vmem>>, %arg5: memref<1024x128xf32, #tpu.memory_space<vmem>>, %arg6: memref<1024x1xf32, #tpu.memory_space<vmem>>) attributes {dimension_semantics = [#tpu.dimension_semantics<arbitrary>], iteration_bounds = array<i64: 10>, scalar_prefetch = 0 : i64, scratch_operands = 0 : i64, tpu.core_type = #tpu.core_type<tc>, window_params = [{transform_indices = @transform_0, window_bounds = array<i64: 1024, 1>}, {transform_indices = @transform_1, window_bounds = array<i64: 1024, 1>}, {transform_indices = @transform_2, window_bounds = array<i64: 1024, 128>}, {pipeline_mode = #tpu.pipeline_mode<synchronous>, transform_indices = @transform_3, window_bounds = array<i64: 128, 128>}, {transform_indices = @transform_4, window_bounds = array<i64: 1024, 128>}, {transform_indices = @transform_5, window_bounds = array<i64: 1024, 1>}]} {
    %get3A = arith.constant 0 : index
    %get3A_0 = arith.constant 0 : index
    %get3A_1 = vector.load %arg1[%get3A, %get3A_0] : memref<1024x1xf32, #tpu.memory_space<vmem>>, vector<1024x1xf32>
    %get3A_2 = arith.constant 0 : index
    %get3A_3 = arith.constant 0 : index
    %get3A_4 = vector.load %arg2[%get3A_2, %get3A_3] : memref<1024x1xf32, #tpu.memory_space<vmem>>, vector<1024x1xf32>
    %add3A = arith.addf %get3A_1, %get3A_4 : vector<1024x1xf32>
    %add3A_5 = arith.constant 1.000000e+00 : f32
    %add3A_6 = vector.broadcast %add3A_5 : f32 to vector<1024x1xf32>
    %add3A_7 = arith.addf %add3A, %add3A_6 : vector<1024x1xf32>
    %max3A = arith.constant 1.000000e+00 : f32
    %max3A_8 = vector.broadcast %max3A : f32 to vector<1024x1xf32>
    %max3A_9 = arith.maximumf %add3A_7, %max3A_8 : vector<1024x1xf32>
    %rsqrt3A = math.rsqrt %max3A_9 : vector<1024x1xf32>
    %mul3A = arith.constant 1024 : i32
    %mul3A_10 = arith.muli %arg0, %mul3A : i32
    %iota3A = tpu.iota {dimensions = array<i32: 0>} : vector<1024x1xi32>
    %add3A_11 = vector.broadcast %mul3A_10 : i32 to vector<1024x1xi32>
    %add3A_12 = arith.addi %add3A_11, %iota3A : vector<1024x1xi32>
    %lt3A = arith.constant 10000 : i32
    %lt3A_13 = vector.broadcast %lt3A : i32 to vector<1024x1xi32>
    %lt3A_14 = arith.cmpi slt, %add3A_12, %lt3A_13 : vector<1024x1xi32>
    %jit3A = arith.constant 0.000000e+00 : f32
    %broadcast_in_dim3A = vector.broadcast %jit3A : f32 to vector<1024x1xf32>
    %select_n3A = arith.select %lt3A_14, %rsqrt3A, %broadcast_in_dim3A : vector<1024x1xi1>, vector<1024x1xf32>
    %swap3A = arith.constant 0 : index
    %swap3A_15 = arith.constant 0 : index
    %swap3A_16 = vector.load %arg6[%swap3A, %swap3A_15] : memref<1024x1xf32, #tpu.memory_space<vmem>>, vector<1024x1xf32>
    tpu.vector_store %arg6[%swap3A, %swap3A_15], %select_n3A {strides = array<i32>} : memref<1024x1xf32, #tpu.memory_space<vmem>>, vector<1024x1xf32>,
    %get3A_17 = arith.constant 0 : index
    %get3A_18 = arith.constant 0 : index
    %get3A_19 = vector.load %arg3[%get3A_17, %get3A_18] : memref<1024x128xf32, #tpu.memory_space<vmem>>, vector<1024x128xf32>
    %get3A_20 = arith.constant 0 : index
    %get3A_21 = arith.constant 0 : index
    %get3A_22 = vector.load %arg4[%get3A_20, %get3A_21] : memref<128x128xf32, #tpu.memory_space<vmem>>, vector<128x128xf32>
    %dot_general3A = arith.constant dense<0.000000e+00> : vector<1024x128xf32>
    %dot_general3A_23 = tpu.matmul %get3A_19, %get3A_22, %dot_general3A {dimension_numbers = #tpu.dot_dimension_numbers<[1], [0], [0], [1], [0, 0, 1, 1], [], []>, transpose_lhs_hint = false} : vector<1024x128xf32>, vector<128x128xf32>, vector<1024x128xf32> -> vector<1024x128xf32>
    %mul3A_24 = vector.broadcast %select_n3A : vector<1024x1xf32> to vector<1024x128xf32>
    %mul3A_25 = arith.mulf %mul3A_24, %dot_general3A_23 : vector<1024x128xf32>
    %swap3A_26 = arith.constant 0 : index
    %swap3A_27 = arith.constant 0 : index
    %swap3A_28 = vector.load %arg5[%swap3A_26, %swap3A_27] : memref<1024x128xf32, #tpu.memory_space<vmem>>, vector<1024x128xf32>
    tpu.vector_store %arg5[%swap3A_26, %swap3A_27], %mul3A_25 {strides = array<i32>} : memref<1024x128xf32, #tpu.memory_space<vmem>>, vector<1024x128xf32>,
    return
  }
  func.func @transform_0(%arg0: i32) -> (i32, i32) {
    %c0_i32 = arith.constant 0 : i32
    %c0_i32_0 = arith.constant 0 : i32
    return %arg0, %c0_i32 : i32, i32
  }
  func.func @transform_1(%arg0: i32) -> (i32, i32) {
    %c0_i32 = arith.constant 0 : i32
    %c0_i32_0 = arith.constant 0 : i32
    return %arg0, %c0_i32 : i32, i32
  }
  func.func @transform_2(%arg0: i32) -> (i32, i32) {
    %c0_i32 = arith.constant 0 : i32
    %c0_i32_0 = arith.constant 0 : i32
    return %arg0, %c0_i32 : i32, i32
  }
  func.func @transform_3(%arg0: i32) -> (i32, i32) {
    %c0_i32 = arith.constant 0 : i32
    %c0_i32_0 = arith.constant 0 : i32
    %c0_i32_1 = arith.constant 0 : i32
    return %c0_i32, %c0_i32_0 : i32, i32
  }
  func.func @transform_4(%arg0: i32) -> (i32, i32) {
    %c0_i32 = arith.constant 0 : i32
    %c0_i32_0 = arith.constant 0 : i32
    return %arg0, %c0_i32 : i32, i32
  }
  func.func @transform_5(%arg0: i32) -> (i32, i32) {
    %c0_i32 = arith.constant 0 : i32
    %c0_i32_0 = arith.constant 0 : i32
    return %arg0, %c0_i32 : i32, i32
  }
}

module attributes {stable_mosaic.version = 14 : i64} {
  func.func @_tc2_body(%arg0: i32, %arg1: memref<1024x128xf32, #tpu.memory_space<vmem>>, %arg2: memref<1024x128xf32, #tpu.memory_space<vmem>>, %arg3: memref<1024x128xf32, #tpu.memory_space<vmem>>, %arg4: memref<1024x1xf32, #tpu.memory_space<vmem>>, %arg5: memref<1x128xf32, #tpu.memory_space<vmem>>, %arg6: memref<128x128xf32, #tpu.memory_space<vmem>>, %arg7: memref<1024x128xf32, #tpu.memory_space<vmem>>) attributes {dimension_semantics = [#tpu.dimension_semantics<arbitrary>], iteration_bounds = array<i64: 10>, scalar_prefetch = 0 : i64, scratch_operands = 0 : i64, tpu.core_type = #tpu.core_type<tc>, window_params = [{transform_indices = @transform_0, window_bounds = array<i64: 1024, 128>}, {transform_indices = @transform_1, window_bounds = array<i64: 1024, 128>}, {transform_indices = @transform_2, window_bounds = array<i64: 1024, 128>}, {transform_indices = @transform_3, window_bounds = array<i64: 1024, 1>}, {pipeline_mode = #tpu.pipeline_mode<synchronous>, transform_indices = @transform_4, window_bounds = array<i64: 1, 128>}, {pipeline_mode = #tpu.pipeline_mode<synchronous>, transform_indices = @transform_5, window_bounds = array<i64: 128, 128>}, {transform_indices = @transform_6, window_bounds = array<i64: 1024, 128>}]} {
    %get3A = arith.constant 0 : index
    %get3A_0 = arith.constant 0 : index
    %get3A_1 = vector.load %arg1[%get3A, %get3A_0] : memref<1024x128xf32, #tpu.memory_space<vmem>>, vector<1024x128xf32>
    %get3A_2 = arith.constant 0 : index
    %get3A_3 = arith.constant 0 : index
    %get3A_4 = vector.load %arg2[%get3A_2, %get3A_3] : memref<1024x128xf32, #tpu.memory_space<vmem>>, vector<1024x128xf32>
    %add3A = arith.addf %get3A_1, %get3A_4 : vector<1024x128xf32>
    %get3A_5 = arith.constant 0 : index
    %get3A_6 = arith.constant 0 : index
    %get3A_7 = vector.load %arg3[%get3A_5, %get3A_6] : memref<1024x128xf32, #tpu.memory_space<vmem>>, vector<1024x128xf32>
    %add3A_8 = arith.addf %add3A, %get3A_7 : vector<1024x128xf32>
    %get3A_9 = arith.constant 0 : index
    %get3A_10 = arith.constant 0 : index
    %get3A_11 = vector.load %arg4[%get3A_9, %get3A_10] : memref<1024x1xf32, #tpu.memory_space<vmem>>, vector<1024x1xf32>
    %mul3A = vector.broadcast %get3A_11 : vector<1024x1xf32> to vector<1024x128xf32>
    %mul3A_12 = arith.mulf %mul3A, %add3A_8 : vector<1024x128xf32>
    %get3A_13 = arith.constant 0 : index
    %get3A_14 = arith.constant 0 : index
    %get3A_15 = vector.load %arg5[%get3A_13, %get3A_14] : memref<1x128xf32, #tpu.memory_space<vmem>>, vector<1x128xf32>
    %add3A_16 = vector.broadcast %get3A_15 : vector<1x128xf32> to vector<1024x128xf32>
    %add3A_17 = arith.addf %mul3A_12, %add3A_16 : vector<1024x128xf32>
    %max3A = arith.constant 0.000000e+00 : f32
    %max3A_18 = vector.broadcast %max3A : f32 to vector<1024x128xf32>
    %max3A_19 = arith.maximumf %add3A_17, %max3A_18 : vector<1024x128xf32>
    %get3A_20 = arith.constant 0 : index
    %get3A_21 = arith.constant 0 : index
    %get3A_22 = vector.load %arg4[%get3A_20, %get3A_21] : memref<1024x1xf32, #tpu.memory_space<vmem>>, vector<1024x1xf32>
    %get3A_23 = arith.constant 0 : index
    %get3A_24 = arith.constant 0 : index
    %get3A_25 = vector.load %arg6[%get3A_23, %get3A_24] : memref<128x128xf32, #tpu.memory_space<vmem>>, vector<128x128xf32>
    %dot_general3A = arith.constant dense<0.000000e+00> : vector<1024x128xf32>
    %dot_general3A_26 = tpu.matmul %max3A_19, %get3A_25, %dot_general3A {dimension_numbers = #tpu.dot_dimension_numbers<[1], [0], [0], [1], [0, 0, 1, 1], [], []>, transpose_lhs_hint = false} : vector<1024x128xf32>, vector<128x128xf32>, vector<1024x128xf32> -> vector<1024x128xf32>
    %mul3A_27 = vector.broadcast %get3A_22 : vector<1024x1xf32> to vector<1024x128xf32>
    %mul3A_28 = arith.mulf %mul3A_27, %dot_general3A_26 : vector<1024x128xf32>
    %swap3A = arith.constant 0 : index
    %swap3A_29 = arith.constant 0 : index
    %swap3A_30 = vector.load %arg7[%swap3A, %swap3A_29] : memref<1024x128xf32, #tpu.memory_space<vmem>>, vector<1024x128xf32>
    tpu.vector_store %arg7[%swap3A, %swap3A_29], %mul3A_28 {strides = array<i32>} : memref<1024x128xf32, #tpu.memory_space<vmem>>, vector<1024x128xf32>,
    return
  }
  func.func @transform_0(%arg0: i32) -> (i32, i32) {
    %c0_i32 = arith.constant 0 : i32
    %c0_i32_0 = arith.constant 0 : i32
    return %arg0, %c0_i32 : i32, i32
  }
  func.func @transform_1(%arg0: i32) -> (i32, i32) {
    %c0_i32 = arith.constant 0 : i32
    %c0_i32_0 = arith.constant 0 : i32
    return %arg0, %c0_i32 : i32, i32
  }
  func.func @transform_2(%arg0: i32) -> (i32, i32) {
    %c0_i32 = arith.constant 0 : i32
    %c0_i32_0 = arith.constant 0 : i32
    return %arg0, %c0_i32 : i32, i32
  }
  func.func @transform_3(%arg0: i32) -> (i32, i32) {
    %c0_i32 = arith.constant 0 : i32
    %c0_i32_0 = arith.constant 0 : i32
    return %arg0, %c0_i32 : i32, i32
  }
  func.func @transform_4(%arg0: i32) -> (i32, i32) {
    %c0_i32 = arith.constant 0 : i32
    %c0_i32_0 = arith.constant 0 : i32
    %c0_i32_1 = arith.constant 0 : i32
    return %c0_i32, %c0_i32_0 : i32, i32
  }
  func.func @transform_5(%arg0: i32) -> (i32, i32) {
    %c0_i32 = arith.constant 0 : i32
    %c0_i32_0 = arith.constant 0 : i32
    %c0_i32_1 = arith.constant 0 : i32
    return %c0_i32, %c0_i32_0 : i32, i32
  }
  func.func @transform_6(%arg0: i32) -> (i32, i32) {
    %c0_i32 = arith.constant 0 : i32
    %c0_i32_0 = arith.constant 0 : i32
    return %arg0, %c0_i32 : i32, i32
  }
}

module attributes {stable_mosaic.version = 14 : i64} {
  func.func @_tc3_body(%arg0: i32, %arg1: memref<1024x128xf32, #tpu.memory_space<vmem>>, %arg2: memref<1024x128xf32, #tpu.memory_space<vmem>>, %arg3: memref<1024x128xf32, #tpu.memory_space<vmem>>, %arg4: memref<1024x1xf32, #tpu.memory_space<vmem>>, %arg5: memref<1x128xf32, #tpu.memory_space<vmem>>, %arg6: memref<128x64xf32, #tpu.memory_space<vmem>>, %arg7: memref<1x64xf32, #tpu.memory_space<vmem>>, %arg8: memref<64x1xf32, #tpu.memory_space<vmem>>, %arg9: memref<1x1xf32, #tpu.memory_space<vmem>>, %arg10: memref<1024x1xf32, #tpu.memory_space<vmem>>) attributes {dimension_semantics = [#tpu.dimension_semantics<arbitrary>], iteration_bounds = array<i64: 10>, scalar_prefetch = 0 : i64, scratch_operands = 0 : i64, tpu.core_type = #tpu.core_type<tc>, window_params = [{transform_indices = @transform_0, window_bounds = array<i64: 1024, 128>}, {transform_indices = @transform_1, window_bounds = array<i64: 1024, 128>}, {transform_indices = @transform_2, window_bounds = array<i64: 1024, 128>}, {transform_indices = @transform_3, window_bounds = array<i64: 1024, 1>}, {pipeline_mode = #tpu.pipeline_mode<synchronous>, transform_indices = @transform_4, window_bounds = array<i64: 1, 128>}, {pipeline_mode = #tpu.pipeline_mode<synchronous>, transform_indices = @transform_5, window_bounds = array<i64: 128, 64>}, {pipeline_mode = #tpu.pipeline_mode<synchronous>, transform_indices = @transform_6, window_bounds = array<i64: 1, 64>}, {pipeline_mode = #tpu.pipeline_mode<synchronous>, transform_indices = @transform_7, window_bounds = array<i64: 64, 1>}, {pipeline_mode = #tpu.pipeline_mode<synchronous>, transform_indices = @transform_8, window_bounds = array<i64: 1, 1>}, {transform_indices = @transform_9, window_bounds = array<i64: 1024, 1>}]} {
    %get3A = arith.constant 0 : index
    %get3A_0 = arith.constant 0 : index
    %get3A_1 = vector.load %arg1[%get3A, %get3A_0] : memref<1024x128xf32, #tpu.memory_space<vmem>>, vector<1024x128xf32>
    %get3A_2 = arith.constant 0 : index
    %get3A_3 = arith.constant 0 : index
    %get3A_4 = vector.load %arg2[%get3A_2, %get3A_3] : memref<1024x128xf32, #tpu.memory_space<vmem>>, vector<1024x128xf32>
    %add3A = arith.addf %get3A_1, %get3A_4 : vector<1024x128xf32>
    %get3A_5 = arith.constant 0 : index
    %get3A_6 = arith.constant 0 : index
    %get3A_7 = vector.load %arg3[%get3A_5, %get3A_6] : memref<1024x128xf32, #tpu.memory_space<vmem>>, vector<1024x128xf32>
    %add3A_8 = arith.addf %add3A, %get3A_7 : vector<1024x128xf32>
    %get3A_9 = arith.constant 0 : index
    %get3A_10 = arith.constant 0 : index
    %get3A_11 = vector.load %arg4[%get3A_9, %get3A_10] : memref<1024x1xf32, #tpu.memory_space<vmem>>, vector<1024x1xf32>
    %mul3A = vector.broadcast %get3A_11 : vector<1024x1xf32> to vector<1024x128xf32>
    %mul3A_12 = arith.mulf %mul3A, %add3A_8 : vector<1024x128xf32>
    %get3A_13 = arith.constant 0 : index
    %get3A_14 = arith.constant 0 : index
    %get3A_15 = vector.load %arg5[%get3A_13, %get3A_14] : memref<1x128xf32, #tpu.memory_space<vmem>>, vector<1x128xf32>
    %add3A_16 = vector.broadcast %get3A_15 : vector<1x128xf32> to vector<1024x128xf32>
    %add3A_17 = arith.addf %mul3A_12, %add3A_16 : vector<1024x128xf32>
    %max3A = arith.constant 0.000000e+00 : f32
    %max3A_18 = vector.broadcast %max3A : f32 to vector<1024x128xf32>
    %max3A_19 = arith.maximumf %add3A_17, %max3A_18 : vector<1024x128xf32>
    %get3A_20 = arith.constant 0 : index
    %get3A_21 = arith.constant 0 : index
    %get3A_22 = vector.load %arg6[%get3A_20, %get3A_21] : memref<128x64xf32, #tpu.memory_space<vmem>>, vector<128x64xf32>
    %dot_general3A = arith.constant dense<0.000000e+00> : vector<1024x64xf32>
    %dot_general3A_23 = tpu.matmul %max3A_19, %get3A_22, %dot_general3A {dimension_numbers = #tpu.dot_dimension_numbers<[1], [0], [0], [1], [0, 0, 1, 1], [], []>, transpose_lhs_hint = false} : vector<1024x128xf32>, vector<128x64xf32>, vector<1024x64xf32> -> vector<1024x64xf32>
    %get3A_24 = arith.constant 0 : index
    %get3A_25 = arith.constant 0 : index
    %get3A_26 = vector.load %arg7[%get3A_24, %get3A_25] : memref<1x64xf32, #tpu.memory_space<vmem>>, vector<1x64xf32>
    %add3A_27 = vector.broadcast %get3A_26 : vector<1x64xf32> to vector<1024x64xf32>
    %add3A_28 = arith.addf %dot_general3A_23, %add3A_27 : vector<1024x64xf32>
    %max3A_29 = arith.constant 0.000000e+00 : f32
    %max3A_30 = vector.broadcast %max3A_29 : f32 to vector<1024x64xf32>
    %max3A_31 = arith.maximumf %add3A_28, %max3A_30 : vector<1024x64xf32>
    %get3A_32 = arith.constant 0 : index
    %get3A_33 = arith.constant 0 : index
    %get3A_34 = vector.load %arg8[%get3A_32, %get3A_33] : memref<64x1xf32, #tpu.memory_space<vmem>>, vector<64x1xf32>
    %dot_general3A_35 = arith.constant dense<0.000000e+00> : vector<1024x1xf32>
    %dot_general3A_36 = tpu.matmul %max3A_31, %get3A_34, %dot_general3A_35 {dimension_numbers = #tpu.dot_dimension_numbers<[1], [0], [0], [1], [0, 0, 1, 1], [], []>, transpose_lhs_hint = false} : vector<1024x64xf32>, vector<64x1xf32>, vector<1024x1xf32> -> vector<1024x1xf32>
    %get3A_37 = arith.constant 0 : index
    %get3A_38 = arith.constant 0 : index
    %get3A_39 = vector.load %arg9[%get3A_37, %get3A_38] : memref<1x1xf32, #tpu.memory_space<vmem>>, vector<1x1xf32>
    %add3A_40 = vector.broadcast %get3A_39 : vector<1x1xf32> to vector<1024x1xf32>
    %add3A_41 = arith.addf %dot_general3A_36, %add3A_40 : vector<1024x1xf32>
    %swap3A = arith.constant 0 : index
    %swap3A_42 = arith.constant 0 : index
    %swap3A_43 = vector.load %arg10[%swap3A, %swap3A_42] : memref<1024x1xf32, #tpu.memory_space<vmem>>, vector<1024x1xf32>
    tpu.vector_store %arg10[%swap3A, %swap3A_42], %add3A_41 {strides = array<i32>} : memref<1024x1xf32, #tpu.memory_space<vmem>>, vector<1024x1xf32>,
    return
  }
  func.func @transform_0(%arg0: i32) -> (i32, i32) {
    %c0_i32 = arith.constant 0 : i32
    %c0_i32_0 = arith.constant 0 : i32
    return %arg0, %c0_i32 : i32, i32
  }
  func.func @transform_1(%arg0: i32) -> (i32, i32) {
    %c0_i32 = arith.constant 0 : i32
    %c0_i32_0 = arith.constant 0 : i32
    return %arg0, %c0_i32 : i32, i32
  }
  func.func @transform_2(%arg0: i32) -> (i32, i32) {
    %c0_i32 = arith.constant 0 : i32
    %c0_i32_0 = arith.constant 0 : i32
    return %arg0, %c0_i32 : i32, i32
  }
  func.func @transform_3(%arg0: i32) -> (i32, i32) {
    %c0_i32 = arith.constant 0 : i32
    %c0_i32_0 = arith.constant 0 : i32
    return %arg0, %c0_i32 : i32, i32
  }
  func.func @transform_4(%arg0: i32) -> (i32, i32) {
    %c0_i32 = arith.constant 0 : i32
    %c0_i32_0 = arith.constant 0 : i32
    %c0_i32_1 = arith.constant 0 : i32
    return %c0_i32, %c0_i32_0 : i32, i32
  }
  func.func @transform_5(%arg0: i32) -> (i32, i32) {
    %c0_i32 = arith.constant 0 : i32
    %c0_i32_0 = arith.constant 0 : i32
    %c0_i32_1 = arith.constant 0 : i32
    return %c0_i32, %c0_i32_0 : i32, i32
  }
  func.func @transform_6(%arg0: i32) -> (i32, i32) {
    %c0_i32 = arith.constant 0 : i32
    %c0_i32_0 = arith.constant 0 : i32
    %c0_i32_1 = arith.constant 0 : i32
    return %c0_i32, %c0_i32_0 : i32, i32
  }
  func.func @transform_7(%arg0: i32) -> (i32, i32) {
    %c0_i32 = arith.constant 0 : i32
    %c0_i32_0 = arith.constant 0 : i32
    %c0_i32_1 = arith.constant 0 : i32
    return %c0_i32, %c0_i32_0 : i32, i32
  }
  func.func @transform_8(%arg0: i32) -> (i32, i32) {
    %c0_i32 = arith.constant 0 : i32
    %c0_i32_0 = arith.constant 0 : i32
    %c0_i32_1 = arith.constant 0 : i32
    return %c0_i32, %c0_i32_0 : i32, i32
  }
  func.func @transform_9(%arg0: i32) -> (i32, i32) {
    %c0_i32 = arith.constant 0 : i32
    %c0_i32_0 = arith.constant 0 : i32
    return %arg0, %c0_i32 : i32, i32
  }
}

</mosaic_0001>

<sc_bundles>
// kernel: kernel.11.cloned.1.call-start
scs
__scs_entry_jumppad:
0x0: {  	(pc) =	sbr.rel $0x88, $3  }
0x1: {  	(tag) =	ssettag $0x0;
	lr =	simm.s32 $0x1  }
0x2: {  	[smem:$0x3F97] =	sst lr;
	_ =	strace $0xD0000000  }
0x3: {  	_ = 	snop  }
0x4: {  	_ = 	snop  }
0x5: {  	_ = 	snop  }
0x6: {  	_ = 	snop  }
0x7: {  	_ = 	snop  }
__scs_overlays_trampoline_lowered:
0x8: {  	[smem:$0x3FA6] =	sst s0  }
0x9: {  	[smem:$0x3FA7] =	sst s1  }
0xa: {  	[smem:$0x3FA8] =	sst s2  }
0xb: {  	[smem:$0x3FA9] =	sst s3  }
0xc: {  	[smem:$0x3FAA] =	sst s4  }
0xd: {  	[smem:$0x3FAB] =	sst s5  }
0xe: {  	[smem:$0x3FAC] =	sst s6  }
0xf: {  	[smem:$0x3FAD] =	sst s7  }
0x10: {  	[smem:$0x3FAE] =	sst s8  }
0x11: {  	[smem:$0x3FAF] =	sst s9;
	s0 =	simm.s32 @!p0 $0x0  }
0x12: {  	s1 =	sld [smem:$0x3F95];
	s0 =	simm.s32 @p0 $0x1  }
0x13: {  	[smem:$0x3FB0] =	sst s0;
	s0 =	simm.s32 @!p1 $0x0  }
0x14: {  	s2 =	sld [smem:$0x3F94];
	s0 =	simm.s32 @p1 $0x1  }
0x15: {  	[smem:$0x3FB1] =	sst s0;
	s0 =	simm.s32 @!p2 $0x0  }
0x16: {  	s3 =	sld [smem:$0x3FDB];
	s0 =	simm.s32 @p2 $0x1  }
0x17: {  	s4 =	simm.s32 $0x1BF5;
	[smem:$0x3FB3] =	sst s0  }
0x18: {  	s0 =	sld [smem:$0x3F96];
	_ =	swait.ge [sflag:s4], $0x0  }
0x19: {  	s7 =	sld [smem:$0x3F97]  }
0x1a: {  	s8 =	sadd.s32 $0xFFFFE003, lr  }
0x1b: {  	s9 =	sadd.s32 $0xFFFFFEF7, lr;
	s5 =	simm.s32 $0xFFFFFFFF;
	p2 =	slt.u32 s8, $0xFFFFF086  }
0x1c: {  	p1 =	slt.u32 s9, $0xF7A;
	s5 =	simm.s32 @!p2 $0x0  }
0x1d: {  	s5 =	simm.s32 @p1 $0x1;
	p0 =	seq.s32 s7, s2  }
0x1e: {  	s7 =	smul.u32 @!p0 $0xF7A, s2;
	p2 =	seq.s32 @!p0 s5, $0x0  }
0x1f: {  	s9 =	smul.u32 $0xF7A, s1;
	s8 =	simm.s32 @!p0 $0x1BF5;
	p2 =	por !p2, p0  }
0x20: {  	[sflag:s8] =	ssyncset.s32 @!p0 $0xFFFFF086;
	s6 =	sadd.s32 @!p0 s3, s7;
	s7 =	simm.s32 @!p0 $0x108  }
0x21: {  	s3 =	sadd.s32 s3, s9;
	s6 =	sadd.s32 @!p0 $0x88, s6;
	s7 =	simm.s32 @p2 $0x1082  }
0x22: {  	[simem:s7], [sflag:s8] =	dma.local @!p0 [hbm:s6], $0xF7A  }
0x23: {  	s9 =	sor.u32 $0xD0000000, s2;
	s6 =	simm.s32 $0x108;
	_ =	swait.ge @!p0 [sflag:s8], $0x0  }
0x24: {  	s3 =	sadd.s32 $0x88, s3;
	s6 =	simm.s32 @!p1 $0x1082;
	[sflag:s4] =	ssyncset.s32 $0xFFFFF086  }
0x25: {  	[simem:s6], [sflag:s4] =	dma.local [hbm:s3], $0xF7A  }
0x26: {  	[smem:$0x3F97] =	sst s1;
	(tag) =	ssettag s2;
	_ =	strace s9  }
0x27: {  	s1 =	sld [smem:$0x3FA7]  }
0x28: {  	s2 =	sld [smem:$0x3FA8]  }
0x29: {  	s4 =	sld [smem:$0x3FAA]  }
0x2a: {  	p0 =	seq.s32 s5, $0x0;
	s5 =	sld [smem:$0x3FAB]  }
0x2b: {  	s6 =	sld [smem:$0x3FAC]  }
0x2c: {  	s7 =	sld [smem:$0x3FAD]  }
0x2d: {  	s3 =	simm.s32 $0x108;
	s8 =	sld [smem:$0x3FAE]  }
0x2e: {  	s3 =	simm.s32 @!p0 $0x1082;
	s9 =	sld [smem:$0x3FAF]  }
0x2f: {  	lr =	sadd.s32 s0, s3;
	s0 =	sld [smem:$0x3FA6]  }
0x30: {  	s3 =	sld [smem:$0x3FA9]  }
0x31: {  	[smem:$0x3FB2] =	sst s10  }
0x32: {  	s10 =	sld [smem:$0x3FB0];
	_ =	sdelay $0x3  }
0x33: {  	p0 =	seq.s32 s10, $0x1;
	s10 =	sld [smem:$0x3FB2];
	_ =	sdelay $0x3  }
0x34: {  	[smem:$0x3FB2] =	sst s10  }
0x35: {  	s10 =	sld [smem:$0x3FB1];
	_ =	sdelay $0x3  }
0x36: {  	p1 =	seq.s32 s10, $0x1;
	s10 =	sld [smem:$0x3FB2];
	_ =	sdelay $0x3  }
0x37: {  	[smem:$0x3FB2] =	sst s10  }
0x38: {  	s10 =	sld [smem:$0x3FB3]  }
0x39: {  	_ = 	snop;
	(pc) =	sbr.ind lr, $3  }
0x3a: {  	_ = 	snop  }
0x3b: {  	_ = 	snop  }
0x3c: {  	p2 =	seq.s32 s10, $0x1;
	s10 =	sld [smem:$0x3FB2]  }
0x3d: {  	_ =	shalt  }
0x3e: {  	_ =	shalt  }
0x3f: {  	_ =	shalt  }
0x40: {  	_ =	shalt  }
0x41: {  	_ =	shalt  }
0x42: {  	_ =	shalt  }
0x43: {  	_ =	shalt  }
0x44: {  	_ =	shalt  }
0x45: {  	_ =	shalt  }
0x46: {  	_ =	shalt  }
0x47: {  	_ =	shalt  }
0x48: {  	_ =	shalt  }
0x49: {  	_ =	shalt  }
0x4a: {  	_ =	shalt  }
0x4b: {  	_ =	shalt  }
0x4c: {  	_ =	shalt  }
0x4d: {  	_ =	shalt  }
0x4e: {  	_ =	shalt  }
0x4f: {  	_ =	shalt  }
0x50: {  	_ =	shalt  }
0x51: {  	_ =	shalt  }
0x52: {  	_ =	shalt  }
0x53: {  	_ =	shalt  }
0x54: {  	_ =	shalt  }
0x55: {  	_ =	shalt  }
0x56: {  	_ =	shalt  }
0x57: {  	_ =	shalt  }
0x58: {  	_ =	shalt  }
0x59: {  	_ =	shalt  }
0x5a: {  	_ =	shalt  }
0x5b: {  	_ =	shalt  }
0x5c: {  	_ =	shalt  }
0x5d: {  	_ =	shalt  }
0x5e: {  	_ =	shalt  }
0x5f: {  	_ =	shalt  }
0x60: {  	_ =	shalt  }
0x61: {  	_ =	shalt  }
0x62: {  	_ =	shalt  }
0x63: {  	_ =	shalt  }
0x64: {  	_ =	shalt  }
0x65: {  	_ =	shalt  }
0x66: {  	_ =	shalt  }
0x67: {  	_ =	shalt  }
0x68: {  	_ =	shalt  }
0x69: {  	_ =	shalt  }
0x6a: {  	_ =	shalt  }
0x6b: {  	_ =	shalt  }
0x6c: {  	_ =	shalt  }
0x6d: {  	_ =	shalt  }
0x6e: {  	_ =	shalt  }
0x6f: {  	_ =	shalt  }
0x70: {  	_ =	shalt  }
0x71: {  	_ =	shalt  }
0x72: {  	_ =	shalt  }
0x73: {  	_ =	shalt  }
0x74: {  	_ =	shalt  }
0x75: {  	_ =	shalt  }
0x76: {  	_ =	shalt  }
0x77: {  	_ =	shalt  }
0x78: {  	_ =	shalt  }
0x79: {  	_ =	shalt  }
0x7a: {  	_ =	shalt  }
0x7b: {  	_ =	shalt  }
0x7c: {  	_ =	shalt  }
0x7d: {  	_ =	shalt  }
0x7e: {  	_ =	shalt  }
0x7f: {  	_ =	shalt  }
0x80: {  	_ =	shalt  }
0x81: {  	_ =	shalt  }
0x82: {  	_ =	shalt  }
0x83: {  	_ =	shalt  }
0x84: {  	_ =	shalt  }
0x85: {  	_ =	shalt  }
0x86: {  	_ =	shalt  }
0x87: {  	_ =	shalt  }
.Lfunc_end0:
.L_simem_size_0:
called_computation.1_lowered:
.L_overlay_start_0:
0x88: {  	s2 =	sld [smem:$0x3FD9]  }
0x89: {  	s3 =	sld [smem:$0x3FFE];
	_ =	sdelay $0x1  }
0x8a: {  	s1 =	srdreg.scid  }
0x8b: {  	s0 =	sand.u32 $0x1, s1  }
0x8c: {  	s16 =	sshll.u32 s0, $0xA;
	s2 =	sadd.s32 s3, s2  }
0x8d: {  	s2 =	sadd.s32 s2, s16  }
0x8e: {  	[smem:$0x3FBE] =	sst s2  }
0x8f: {  	_ = 	snop  }
0x90: {  	(tm) =	ssettm $0x1  }
0x91: {  	s17 =	sld [smem:$0x3FFB];
	_ =	sdelay $0x3  }
0x92: {  	_ =	strace s17  }
0x93: {  	s2 =	sld [smem:$0x3FFC];
	_ =	sdelay $0x3  }
0x94: {  	_ =	strace s2  }
0x95: {  	s2 =	sld [smem:$0x3FFD];
	_ =	sdelay $0x3  }
0x96: {  	_ =	strace s2  }
0x97: {  	_ =	strace $0x8FFFFFFF  }
0x98: {  	s18 =	sld [smem:$0x3FDB];
	_ =	sdelay $0x1  }
0x99: {  	s19 =	simm.s32 $_scs_section_size  }
0x9a: {  	s4 =	simm.s32 $_size__tile_overlayer_lowered;
	s5 =	simm.s32 $_tile_overlayer_lowered  }
0x9b: {  	s22 =	simm.s32 $0x1BFF;
	s21 =	sshll.u32 s5, $0x1;
	s2 =	sadd.s32 s19, s18  }
0x9c: {  	s6 =	simm.s32 $0x0;
	s20 =	sshll.u32 s4, $0x1;
	s4 =	sadd.s32 s21, s2  }
0x9d: {  	[timem:s6], [sflag:s22] =	dma.local [hbm:s4], s20  }
0x9e: {  	_ =	swait.ge [sflag:s22], s20  }
0x9f: {  	s3 =	ssub.s32 $0x0, s20;
	[sflag:s22] =	ssyncset.done $0x0  }
0xa0: {  	[sflag:s22] =	ssyncadd.s32 s3;
	_ =	sdelay $0x1  }
0xa1: {  	s23 =	simm.s32 $0x1B8B  }
0xa2: {  	_ =	swait.ge [sflag:s23], $0x1  }
0xa3: {  	[sflag:s23] =	ssyncset.done $0x0  }
0xa4: {  	s25 =	simm.s32 $0x1B8E;
	s24 =	sld [smem:$0x3FFE];
	[sflag:s23] =	ssyncadd.s32 $0xFFFFFFFF  }
0xa5: {  	s26 =	simm.s32 $execute0_lowered;
	[smem:$0x3FD2] =	sst s25  }
0xa6: {  	s4 =	sshll.u32 s26, $0x1;
	_ =	strace $0x80000049;
	[dreg:$0x1] =	wrdreg $0xFFFFFFFF  }
0xa7: {  	s28 =	simm.s32 $_size_execute0_lowered;
	s2 =	sadd.s32 s2, s4;
	[dreg:$0x0] =	wrdreg $0x0  }
0xa8: {  	s4 =	sshll.u32 s28, $0x1;
	[dreg:$0x2] =	wrdreg s2  }
0xa9: {  	[dreg:$0x3] =	wrdreg s4  }
0xaa: {  	[dreg:$0x4] =	wrdreg $0xC0  }
0xab: {  	_ =	task [dreg:s6], $0x5FFFF  }
0xac: {  	[dreg:$0x1] =	wrdreg $0xFFFFFFFF  }
0xad: {  	[dreg:$0x0] =	wrdreg $0x60  }
0xae: {  	[dreg:$0x2] =	wrdreg s24  }
0xaf: {  	[dreg:$0x3] =	wrdreg $0x90000  }
0xb0: {  	[dreg:$0x4] =	wrdreg $0x9  }
0xb1: {  	_ =	task.clear_ibuf [dreg:s6], $0x5FFFF;
	_ =	strace $0x90000049  }
0xb2: {  	s29 =	simm.s32 $0x9;
	_ =	strace $0x8000004B  }
0xb3: {  	_ =	swait.ge [sflag:s29], $0x1  }
0xb4: {  	[sflag:s29] =	ssyncadd.s32 $0xFFFFFFFF  }
0xb5: {  	_ =	strace $0x9000004B  }
0xb6: {  	_ =	sfence  }
0xb7: {  	s30 =	sld [smem:$0x0];
	_ =	sdelay $0x2  }
0xb8: {  	s31 =	sshll.u32 s1, $0xD;
	s1 =	sshrl.u32 s1, $0x2  }
0xb9: {  	s3 =	sand.u32 $0x4000, s31;
	s1 =	sadd.s32 s1, s30  }
0xba: {  	s0 =	sor.u32 s3, s0;
	s1 =	sshll.u32 s1, $0x11  }
0xbb: {  	s0 =	sor.u32 s1, s0  }
0xbc: {  	s0 =	sadd.s32 $0x8F2B, s0  }
0xbd: {  	[sflag:s0] =	ssyncadd.remote.s32 $0x1  }
0xbe: {  	_ =	sfence.sel $0xFFFF  }
0xbf: {  	[dreg:$0x0] =	wrdreg $0xFFFFFFFF;
	(pc) =	sbr.abs _section_cstart, $3  }
0xc0: {  	[dreg:$0x1] =	wrdreg $0xFFFFFFFF  }
0xc1: {  	_ =	task.clear_ibuf [dreg:s6], $0x2FFFF;
	_ =	strace $0x9FFFFFFF  }
0xc2: {  	(tm) =	ssettm $0x7FFFFFFF  }
0xc3: {  	_ =	shalt  }
tec
execute0_lowered:
.L_overlay_start_1:
0x0: {  	(tag) =	ssettag $0x1  }
0x1: {  	s8 =	rddreg [dreg:$0x0]  }
0x2: {  	s1 =	srdreg.scid;
	s0 =	stileid.u32  }
0x3: {  	s2 =	rddreg [dreg:$0x1];
	s3 =	simm.s32 $0x0;
	s12 =	simm.s32 $0x93600  }
0x4: {  	s15 =	simm.s32 $0x5000;
	s16 =	simm.s32 $0x1;
	s17 =	simm.s32 $0x0  }
0x5: {  	s6 =	sand.u32 $0x1, s1;
	s1 =	rddreg [dreg:$0x2];
	s11 =	smul.u32 $0x50000, s0  }
0x6: {  	s4 =	sshll.u32 s0, $0x1;
	[smem:$0x7FF] =	sst s3;
	s13 =	smul.u32 $0x2800, s0  }
0x7: {  	s31 =	sshll.u32 s0, $0x6;
	s4 =	sor.u32 s6, s4;
	s7 =	ssub.s32 $0x2, s6  }
0x8: {  	_ =	strace $0x8000004A;
	p0 =	seq.s32 s6, $0x1;
	s5 =	smul.u32 $0x500, s4  }
0x9: {  	s4 =	sadd.s32 $0x18E00, s8;
	s9 =	sshrl.u32 s7, $0x1;
	s12 =	simm.s32 @!p0 $0x6B600  }
0xa: {  	s29 =	sshrl.u32 s11, $0x2;
	s11 =	simm.s32 $0x2800;
	s9 =	ssub.s32 s7, s9  }
0xb: {  	s30 =	sadd.s32 s12, s8;
	s14 =	sadd.s32 s29, s2;
	s12 =	sor.u32 $0x1C02, s31  }
0xc: {  	s10 =	sadd.s32 s5, s8;
	s5 =	sadd.s32 $0x68E00, s8;
	s8 =	smax.u32 s9, $0x1  }
0xd: {  	s9 =	sadd.s32 s30, s13;
	s13 =	sshrl.u32 s14, $0x3;
	s14 =	simm.s32 $0x80  }
0xe: {  	s6 =	sadd.s32 $0xEE00, s10;
	s7 =	sadd.s32 $0x4200, s10;
	s10 =	simm.s32 $0x2  }
.LBB2_1:
0xf: {  	[tilespmem:s3], [sflag:$0x2] =	stream.linear.gather [hbm4b:s6+s3], $0x2780, $0x38;
	[tilespmem:$0x1D000] =	vst v63  }
0x10: {  	_ =	swait.ge [sflag:s10], $0x2780  }
0x11: {  	[sflag:s10] =	ssyncset.done $0x0  }
0x12: {  	[sflag:s10] =	ssyncadd.s32 $0xFFFFD880  }
0x13: {  	[tilespmem:s11], [sflag:$0x2] =	stream.linear.gather [hbm4b:s7+s3], $0x2780, $0x38;
	[tilespmem:$0x1D000] =	vst v63  }
0x14: {  	_ =	swait.ge [sflag:s10], $0x2780  }
0x15: {  	[sflag:s10] =	ssyncset.done $0x0  }
0x16: {  	[sflag:s10] =	ssyncadd.s32 $0xFFFFD880  }
0x17: {  	[spmem:s13], [sflag:s12] =	dma.local [hbm:s5], $0x2800  }
0x18: {  	_ =	swait.ge [sflag:s10], $0x2800  }
0x19: {  	[sflag:s10] =	ssyncset.done $0x0  }
0x1a: {  	[sflag:s10] =	ssyncadd.s32 $0xFFFFD800  }
0x1b: {  	s18 =	simm.s32 $0x0;
	[bflag:$0x0] =	sbarrier.arrive $0xFFFF  }
0x1c: {  	[tilespmem:s15], [sflag:$0x1] =	stream.indirect.gather [hbm4b:s4+s14], $0x80, s18, s14, $0xb8;
	[tilespmem:$0x1D000] =	vst v63  }
0x1d: {  	_ =	swait.ge [sflag:s16], $0x4000  }
0x1e: {  	[sflag:s16] =	ssyncset.done $0x0  }
0x1f: {  	s31 =	simm.s32 $0x2800;
	[sflag:s16] =	ssyncadd.s32 $0xFFFFC000  }
0x20: {  	[spmem:s2] =	stream.indirect.scatter.add.f32 [tilespmem:s15], [sflag:$0x2], $0x80, s31, s14, $0xb8;
	[tilespmem:$0x1D000] =	vst v63  }
0x21: {  	_ =	swait.ge [sflag:s10], $0x4000  }
0x22: {  	s19 =	simm.s32 $0x400;
	s18 =	simm.s32 $0x200;
	[sflag:s10] =	ssyncset.done $0x0  }
.LBB2_2:
0x23: {  	s20 =	sshra.s32 s18, $0x2  }
0x24: {  	[sflag:s10] =	ssyncadd.s32 $0xFFFFC000;
	s18 =	smov.u32 s19;
	s21 =	sadd.s32 $0x200, s19  }
0x25: {  	[tilespmem:s15], [sflag:$0x1] =	stream.indirect.gather [hbm4b:s4+s14], $0x80, s20, s14, $0xb8;
	[tilespmem:$0x1D000] =	vst v63  }
0x26: {  	p0 =	sne.s32 s19, $0x9C00;
	_ =	swait.ge [sflag:s16], $0x4000  }
.Ltmp0:
0x27: {  	[sflag:s16] =	ssyncset.done $0x0;
	(pc) =	sbr.rel @p0 .LBB2_2-.Ltmp0, $4  }
0x28: {  	s19 =	sadd.s32 $0x2800, s20;
	[sflag:s16] =	ssyncadd.s32 $0xFFFFC000  }
0x29: {  	[spmem:s2] =	stream.indirect.scatter.add.f32 [tilespmem:s15], [sflag:$0x2], $0x80, s19, s14, $0xb8;
	[tilespmem:$0x1D000] =	vst v63  }
0x2a: {  	_ =	swait.ge [sflag:s10], $0x4000  }
0x2b: {  	s19 =	smov.u32 s21;
	[sflag:s10] =	ssyncset.done $0x0  }
0x2c: {  	s18 =	sshra.s32 s18, $0x2;
	[sflag:s10] =	ssyncadd.s32 $0xFFFFC000  }
0x2d: {  	[tilespmem:s15], [sflag:$0x1] =	stream.indirect.gather [hbm4b:s4+s14], $0x80, s18, s14, $0xb8;
	[tilespmem:$0x1D000] =	vst v63  }
0x2e: {  	_ =	swait.ge [sflag:s16], $0x4000  }
0x2f: {  	[sflag:s16] =	ssyncset.done $0x0  }
0x30: {  	s18 =	sadd.s32 $0x2800, s18;
	[sflag:s16] =	ssyncadd.s32 $0xFFFFC000  }
0x31: {  	[spmem:s2] =	stream.indirect.scatter.add.f32 [tilespmem:s15], [sflag:$0x2], $0x80, s18, s14, $0xb8;
	[tilespmem:$0x1D000] =	vst v63  }
0x32: {  	_ =	swait.ge [sflag:s10], $0x4000  }
0x33: {  	s17 =	sadd.s32 $0x1, s17;
	[sflag:s10] =	ssyncset.done $0x0  }
0x34: {  	p0 =	sne.s32 s17, s8;
	[sflag:s10] =	ssyncadd.s32 $0xFFFFC000  }
.Ltmp1:
0x35: {  	[bflag:$0x0] =	sbarrier.arrive $0xFFFF;
	(pc) =	sbr.rel @p0 .LBB2_1-.Ltmp1, $4  }
0x36: {  	[hbm:s9], [sflag:s12] =	dma.local [spmem:s13], $0x2800  }
0x37: {  	_ =	swait.ge [sflag:s10], $0x2800  }
0x38: {  	[sflag:s10] =	ssyncset.done $0x0  }
0x39: {  	[sflag:s10] =	ssyncadd.s32 $0xFFFFD800  }
0x3a: {  	_ =	sfence.sel $0x180000  }
0x3b: {  	[bflag:$0x0] =	sbarrier.arrive $0xFFFF  }
0x3c: {  	p0 =	sne.s32 s0, $0x0;
	_ =	strace $0x9000004A  }
0x3d: {  	s0 =	sadd.s32 @!p0 $0x100000, s1;
	[bflag:$0x2] =	sbarrier.arrive $0xFFFF  }
0x3e: {  	[sflag:s0] =	ssyncadd.tile.s32 @!p0 $0x1;
	_ =	shalt  }
.Lfunc_end2:
_tile_overlayer_lowered:
.L_overlay_start_2:
0x3f: {  	(tag) =	ssettag $0x2  }
0x40: {  	s0 =	rddreg [dreg:$0x0];
	s2 =	stileid.u32  }
0x41: {  	s1 =	rddreg [dreg:$0x1];
	p0 =	sne.s32 s2, $0x0  }
0x42: {  	s3 =	rddreg [dreg:$0x2];
	[bflag:$0x3] =	sbarrier.arrive $0xFFFF;
	s2 =	simm.s32 @!p0 $0x1C02  }
0x43: {  	[timem:s3], [sflag:s2] =	dma.local @!p0 [hbm:s0], s1  }
0x44: {  	s0 =	simm.s32 @!p0 $0x2  }
0x45: {  	_ =	swait.ge @!p0 [sflag:s0], s1  }
0x46: {  	s1 =	ssub.s32 @!p0 $0x0, s1;
	[sflag:s0] =	ssyncset.done @!p0 $0x0  }
0x47: {  	[sflag:s0] =	ssyncadd.s32 @!p0 s1  }
0x48: {  	[bflag:$0x3] =	sbarrier.arrive $0xFFFF  }
0x49: {  	_ =	shalt  }

// kernel: kernel.14.cloned.1.call-start
scs
__scs_entry_jumppad:
0x0: {  	(pc) =	sbr.rel $0x88, $3  }
0x1: {  	(tag) =	ssettag $0x0;
	lr =	simm.s32 $0x1  }
0x2: {  	[smem:$0x3F97] =	sst lr;
	_ =	strace $0xD0000000  }
0x3: {  	_ = 	snop  }
0x4: {  	_ = 	snop  }
0x5: {  	_ = 	snop  }
0x6: {  	_ = 	snop  }
0x7: {  	_ = 	snop  }
__scs_overlays_trampoline_lowered:
0x8: {  	[smem:$0x3FA6] =	sst s0  }
0x9: {  	[smem:$0x3FA7] =	sst s1  }
0xa: {  	[smem:$0x3FA8] =	sst s2  }
0xb: {  	[smem:$0x3FA9] =	sst s3  }
0xc: {  	[smem:$0x3FAA] =	sst s4  }
0xd: {  	[smem:$0x3FAB] =	sst s5  }
0xe: {  	[smem:$0x3FAC] =	sst s6  }
0xf: {  	[smem:$0x3FAD] =	sst s7  }
0x10: {  	[smem:$0x3FAE] =	sst s8  }
0x11: {  	[smem:$0x3FAF] =	sst s9;
	s0 =	simm.s32 @!p0 $0x0  }
0x12: {  	s1 =	sld [smem:$0x3F95];
	s0 =	simm.s32 @p0 $0x1  }
0x13: {  	[smem:$0x3FB0] =	sst s0;
	s0 =	simm.s32 @!p1 $0x0  }
0x14: {  	s2 =	sld [smem:$0x3F94];
	s0 =	simm.s32 @p1 $0x1  }
0x15: {  	[smem:$0x3FB1] =	sst s0;
	s0 =	simm.s32 @!p2 $0x0  }
0x16: {  	s3 =	sld [smem:$0x3FDB];
	s0 =	simm.s32 @p2 $0x1  }
0x17: {  	s4 =	simm.s32 $0x1BF5;
	[smem:$0x3FB3] =	sst s0  }
0x18: {  	s0 =	sld [smem:$0x3F96];
	_ =	swait.ge [sflag:s4], $0x0  }
0x19: {  	s7 =	sld [smem:$0x3F97]  }
0x1a: {  	s8 =	sadd.s32 $0xFFFFE003, lr  }
0x1b: {  	s9 =	sadd.s32 $0xFFFFFEF7, lr;
	s5 =	simm.s32 $0xFFFFFFFF;
	p2 =	slt.u32 s8, $0xFFFFF086  }
0x1c: {  	p1 =	slt.u32 s9, $0xF7A;
	s5 =	simm.s32 @!p2 $0x0  }
0x1d: {  	s5 =	simm.s32 @p1 $0x1;
	p0 =	seq.s32 s7, s2  }
0x1e: {  	s7 =	smul.u32 @!p0 $0xF7A, s2;
	p2 =	seq.s32 @!p0 s5, $0x0  }
0x1f: {  	s9 =	smul.u32 $0xF7A, s1;
	s8 =	simm.s32 @!p0 $0x1BF5;
	p2 =	por !p2, p0  }
0x20: {  	[sflag:s8] =	ssyncset.s32 @!p0 $0xFFFFF086;
	s6 =	sadd.s32 @!p0 s3, s7;
	s7 =	simm.s32 @!p0 $0x108  }
0x21: {  	s3 =	sadd.s32 s3, s9;
	s6 =	sadd.s32 @!p0 $0x88, s6;
	s7 =	simm.s32 @p2 $0x1082  }
0x22: {  	[simem:s7], [sflag:s8] =	dma.local @!p0 [hbm:s6], $0xF7A  }
0x23: {  	s9 =	sor.u32 $0xD0000000, s2;
	s6 =	simm.s32 $0x108;
	_ =	swait.ge @!p0 [sflag:s8], $0x0  }
0x24: {  	s3 =	sadd.s32 $0x88, s3;
	s6 =	simm.s32 @!p1 $0x1082;
	[sflag:s4] =	ssyncset.s32 $0xFFFFF086  }
0x25: {  	[simem:s6], [sflag:s4] =	dma.local [hbm:s3], $0xF7A  }
0x26: {  	[smem:$0x3F97] =	sst s1;
	(tag) =	ssettag s2;
	_ =	strace s9  }
0x27: {  	s1 =	sld [smem:$0x3FA7]  }
0x28: {  	s2 =	sld [smem:$0x3FA8]  }
0x29: {  	s4 =	sld [smem:$0x3FAA]  }
0x2a: {  	p0 =	seq.s32 s5, $0x0;
	s5 =	sld [smem:$0x3FAB]  }
0x2b: {  	s6 =	sld [smem:$0x3FAC]  }
0x2c: {  	s7 =	sld [smem:$0x3FAD]  }
0x2d: {  	s3 =	simm.s32 $0x108;
	s8 =	sld [smem:$0x3FAE]  }
0x2e: {  	s3 =	simm.s32 @!p0 $0x1082;
	s9 =	sld [smem:$0x3FAF]  }
0x2f: {  	lr =	sadd.s32 s0, s3;
	s0 =	sld [smem:$0x3FA6]  }
0x30: {  	s3 =	sld [smem:$0x3FA9]  }
0x31: {  	[smem:$0x3FB2] =	sst s10  }
0x32: {  	s10 =	sld [smem:$0x3FB0];
	_ =	sdelay $0x3  }
0x33: {  	p0 =	seq.s32 s10, $0x1;
	s10 =	sld [smem:$0x3FB2];
	_ =	sdelay $0x3  }
0x34: {  	[smem:$0x3FB2] =	sst s10  }
0x35: {  	s10 =	sld [smem:$0x3FB1];
	_ =	sdelay $0x3  }
0x36: {  	p1 =	seq.s32 s10, $0x1;
	s10 =	sld [smem:$0x3FB2];
	_ =	sdelay $0x3  }
0x37: {  	[smem:$0x3FB2] =	sst s10  }
0x38: {  	s10 =	sld [smem:$0x3FB3]  }
0x39: {  	_ = 	snop;
	(pc) =	sbr.ind lr, $3  }
0x3a: {  	_ = 	snop  }
0x3b: {  	_ = 	snop  }
0x3c: {  	p2 =	seq.s32 s10, $0x1;
	s10 =	sld [smem:$0x3FB2]  }
0x3d: {  	_ =	shalt  }
0x3e: {  	_ =	shalt  }
0x3f: {  	_ =	shalt  }
0x40: {  	_ =	shalt  }
0x41: {  	_ =	shalt  }
0x42: {  	_ =	shalt  }
0x43: {  	_ =	shalt  }
0x44: {  	_ =	shalt  }
0x45: {  	_ =	shalt  }
0x46: {  	_ =	shalt  }
0x47: {  	_ =	shalt  }
0x48: {  	_ =	shalt  }
0x49: {  	_ =	shalt  }
0x4a: {  	_ =	shalt  }
0x4b: {  	_ =	shalt  }
0x4c: {  	_ =	shalt  }
0x4d: {  	_ =	shalt  }
0x4e: {  	_ =	shalt  }
0x4f: {  	_ =	shalt  }
0x50: {  	_ =	shalt  }
0x51: {  	_ =	shalt  }
0x52: {  	_ =	shalt  }
0x53: {  	_ =	shalt  }
0x54: {  	_ =	shalt  }
0x55: {  	_ =	shalt  }
0x56: {  	_ =	shalt  }
0x57: {  	_ =	shalt  }
0x58: {  	_ =	shalt  }
0x59: {  	_ =	shalt  }
0x5a: {  	_ =	shalt  }
0x5b: {  	_ =	shalt  }
0x5c: {  	_ =	shalt  }
0x5d: {  	_ =	shalt  }
0x5e: {  	_ =	shalt  }
0x5f: {  	_ =	shalt  }
0x60: {  	_ =	shalt  }
0x61: {  	_ =	shalt  }
0x62: {  	_ =	shalt  }
0x63: {  	_ =	shalt  }
0x64: {  	_ =	shalt  }
0x65: {  	_ =	shalt  }
0x66: {  	_ =	shalt  }
0x67: {  	_ =	shalt  }
0x68: {  	_ =	shalt  }
0x69: {  	_ =	shalt  }
0x6a: {  	_ =	shalt  }
0x6b: {  	_ =	shalt  }
0x6c: {  	_ =	shalt  }
0x6d: {  	_ =	shalt  }
0x6e: {  	_ =	shalt  }
0x6f: {  	_ =	shalt  }
0x70: {  	_ =	shalt  }
0x71: {  	_ =	shalt  }
0x72: {  	_ =	shalt  }
0x73: {  	_ =	shalt  }
0x74: {  	_ =	shalt  }
0x75: {  	_ =	shalt  }
0x76: {  	_ =	shalt  }
0x77: {  	_ =	shalt  }
0x78: {  	_ =	shalt  }
0x79: {  	_ =	shalt  }
0x7a: {  	_ =	shalt  }
0x7b: {  	_ =	shalt  }
0x7c: {  	_ =	shalt  }
0x7d: {  	_ =	shalt  }
0x7e: {  	_ =	shalt  }
0x7f: {  	_ =	shalt  }
0x80: {  	_ =	shalt  }
0x81: {  	_ =	shalt  }
0x82: {  	_ =	shalt  }
0x83: {  	_ =	shalt  }
0x84: {  	_ =	shalt  }
0x85: {  	_ =	shalt  }
0x86: {  	_ =	shalt  }
0x87: {  	_ =	shalt  }
.Lfunc_end0:
.L_simem_size_0:
called_computation.2_lowered:
.L_overlay_start_0:
0x88: {  	s2 =	sld [smem:$0x3FD9]  }
0x89: {  	s3 =	sld [smem:$0x3FFE];
	_ =	sdelay $0x1  }
0x8a: {  	s1 =	srdreg.scid  }
0x8b: {  	s0 =	sand.u32 $0x1, s1  }
0x8c: {  	s16 =	sshll.u32 s0, $0xA;
	s2 =	sadd.s32 s3, s2  }
0x8d: {  	s2 =	sadd.s32 s2, s16  }
0x8e: {  	[smem:$0x3FBE] =	sst s2  }
0x8f: {  	_ = 	snop  }
0x90: {  	(tm) =	ssettm $0x1  }
0x91: {  	s17 =	sld [smem:$0x3FFB];
	_ =	sdelay $0x3  }
0x92: {  	_ =	strace s17  }
0x93: {  	s2 =	sld [smem:$0x3FFC];
	_ =	sdelay $0x3  }
0x94: {  	_ =	strace s2  }
0x95: {  	s2 =	sld [smem:$0x3FFD];
	_ =	sdelay $0x3  }
0x96: {  	_ =	strace s2  }
0x97: {  	_ =	strace $0x8FFFFFFF  }
0x98: {  	s18 =	sld [smem:$0x3FDB];
	_ =	sdelay $0x1  }
0x99: {  	s19 =	simm.s32 $_scs_section_size  }
0x9a: {  	s4 =	simm.s32 $_size__tile_overlayer_lowered;
	s5 =	simm.s32 $_tile_overlayer_lowered  }
0x9b: {  	s22 =	simm.s32 $0x1BFF;
	s21 =	sshll.u32 s5, $0x1;
	s2 =	sadd.s32 s19, s18  }
0x9c: {  	s6 =	simm.s32 $0x0;
	s20 =	sshll.u32 s4, $0x1;
	s4 =	sadd.s32 s21, s2  }
0x9d: {  	[timem:s6], [sflag:s22] =	dma.local [hbm:s4], s20  }
0x9e: {  	_ =	swait.ge [sflag:s22], s20  }
0x9f: {  	s3 =	ssub.s32 $0x0, s20;
	[sflag:s22] =	ssyncset.done $0x0  }
0xa0: {  	[sflag:s22] =	ssyncadd.s32 s3;
	_ =	sdelay $0x1  }
0xa1: {  	s23 =	simm.s32 $0x1B8B  }
0xa2: {  	_ =	swait.ge [sflag:s23], $0x1  }
0xa3: {  	[sflag:s23] =	ssyncset.done $0x0  }
0xa4: {  	s25 =	simm.s32 $0x1B8E;
	s24 =	sld [smem:$0x3FFE];
	[sflag:s23] =	ssyncadd.s32 $0xFFFFFFFF  }
0xa5: {  	s26 =	simm.s32 $execute0_lowered;
	[smem:$0x3FD2] =	sst s25  }
0xa6: {  	s4 =	sshll.u32 s26, $0x1;
	_ =	strace $0x8000004C;
	[dreg:$0x1] =	wrdreg $0xFFFFFFFF  }
0xa7: {  	s28 =	simm.s32 $_size_execute0_lowered;
	s2 =	sadd.s32 s2, s4;
	[dreg:$0x0] =	wrdreg $0x0  }
0xa8: {  	s4 =	sshll.u32 s28, $0x1;
	[dreg:$0x2] =	wrdreg s2  }
0xa9: {  	[dreg:$0x3] =	wrdreg s4  }
0xaa: {  	[dreg:$0x4] =	wrdreg $0xC0  }
0xab: {  	_ =	task [dreg:s6], $0x5FFFF  }
0xac: {  	[dreg:$0x1] =	wrdreg $0xFFFFFFFF  }
0xad: {  	[dreg:$0x0] =	wrdreg $0x60  }
0xae: {  	[dreg:$0x2] =	wrdreg s24  }
0xaf: {  	[dreg:$0x3] =	wrdreg $0x90000  }
0xb0: {  	[dreg:$0x4] =	wrdreg $0x9  }
0xb1: {  	_ =	task.clear_ibuf [dreg:s6], $0x5FFFF;
	_ =	strace $0x9000004C  }
0xb2: {  	s29 =	simm.s32 $0x9;
	_ =	strace $0x8000004E  }
0xb3: {  	_ =	swait.ge [sflag:s29], $0x1  }
0xb4: {  	[sflag:s29] =	ssyncadd.s32 $0xFFFFFFFF  }
0xb5: {  	_ =	strace $0x9000004E  }
0xb6: {  	_ =	sfence  }
0xb7: {  	s30 =	sld [smem:$0x0];
	_ =	sdelay $0x2  }
0xb8: {  	s31 =	sshll.u32 s1, $0xD;
	s1 =	sshrl.u32 s1, $0x2  }
0xb9: {  	s3 =	sand.u32 $0x4000, s31;
	s1 =	sadd.s32 s1, s30  }
0xba: {  	s0 =	sor.u32 s3, s0;
	s1 =	sshll.u32 s1, $0x11  }
0xbb: {  	s0 =	sor.u32 s1, s0  }
0xbc: {  	s0 =	sadd.s32 $0x8F2B, s0  }
0xbd: {  	[sflag:s0] =	ssyncadd.remote.s32 $0x1  }
0xbe: {  	_ =	sfence.sel $0xFFFF  }
0xbf: {  	[dreg:$0x0] =	wrdreg $0xFFFFFFFF;
	(pc) =	sbr.abs _section_cstart, $3  }
0xc0: {  	[dreg:$0x1] =	wrdreg $0xFFFFFFFF  }
0xc1: {  	_ =	task.clear_ibuf [dreg:s6], $0x2FFFF;
	_ =	strace $0x9FFFFFFF  }
0xc2: {  	(tm) =	ssettm $0x7FFFFFFF  }
0xc3: {  	_ =	shalt  }
tec
execute0_lowered:
.L_overlay_start_1:
0x0: {  	(tag) =	ssettag $0x1  }
0x1: {  	s8 =	rddreg [dreg:$0x0]  }
0x2: {  	s1 =	srdreg.scid;
	s0 =	stileid.u32  }
0x3: {  	s2 =	rddreg [dreg:$0x1];
	s3 =	simm.s32 $0x0;
	s12 =	simm.s32 $0x93600  }
0x4: {  	s15 =	simm.s32 $0x5000;
	s16 =	simm.s32 $0x1;
	s17 =	simm.s32 $0x0  }
0x5: {  	s6 =	sand.u32 $0x1, s1;
	s1 =	rddreg [dreg:$0x2];
	s11 =	smul.u32 $0x50000, s0  }
0x6: {  	s4 =	sshll.u32 s0, $0x1;
	[smem:$0x7FF] =	sst s3;
	s13 =	smul.u32 $0x2800, s0  }
0x7: {  	s31 =	sshll.u32 s0, $0x6;
	s4 =	sor.u32 s6, s4;
	s7 =	ssub.s32 $0x2, s6  }
0x8: {  	_ =	strace $0x8000004D;
	p0 =	seq.s32 s6, $0x1;
	s5 =	smul.u32 $0x500, s4  }
0x9: {  	s4 =	sadd.s32 $0x18E00, s8;
	s9 =	sshrl.u32 s7, $0x1;
	s12 =	simm.s32 @!p0 $0x6B600  }
0xa: {  	s29 =	sshrl.u32 s11, $0x2;
	s11 =	simm.s32 $0x2800;
	s9 =	ssub.s32 s7, s9  }
0xb: {  	s30 =	sadd.s32 s12, s8;
	s14 =	sadd.s32 s29, s2;
	s12 =	sor.u32 $0x1C02, s31  }
0xc: {  	s10 =	sadd.s32 s5, s8;
	s5 =	sadd.s32 $0x68E00, s8;
	s8 =	smax.u32 s9, $0x1  }
0xd: {  	s9 =	sadd.s32 s30, s13;
	s13 =	sshrl.u32 s14, $0x3;
	s14 =	simm.s32 $0x80  }
0xe: {  	s6 =	sadd.s32 $0xEE00, s10;
	s7 =	sadd.s32 $0x4200, s10;
	s10 =	simm.s32 $0x2  }
.LBB2_1:
0xf: {  	[tilespmem:s3], [sflag:$0x2] =	stream.linear.gather [hbm4b:s6+s3], $0x2780, $0x38;
	[tilespmem:$0x1D000] =	vst v63  }
0x10: {  	_ =	swait.ge [sflag:s10], $0x2780  }
0x11: {  	[sflag:s10] =	ssyncset.done $0x0  }
0x12: {  	[sflag:s10] =	ssyncadd.s32 $0xFFFFD880  }
0x13: {  	[tilespmem:s11], [sflag:$0x2] =	stream.linear.gather [hbm4b:s7+s3], $0x2780, $0x38;
	[tilespmem:$0x1D000] =	vst v63  }
0x14: {  	_ =	swait.ge [sflag:s10], $0x2780  }
0x15: {  	[sflag:s10] =	ssyncset.done $0x0  }
0x16: {  	[sflag:s10] =	ssyncadd.s32 $0xFFFFD880  }
0x17: {  	[spmem:s13], [sflag:s12] =	dma.local [hbm:s5], $0x2800  }
0x18: {  	_ =	swait.ge [sflag:s10], $0x2800  }
0x19: {  	[sflag:s10] =	ssyncset.done $0x0  }
0x1a: {  	[sflag:s10] =	ssyncadd.s32 $0xFFFFD800  }
0x1b: {  	s18 =	simm.s32 $0x0;
	[bflag:$0x0] =	sbarrier.arrive $0xFFFF  }
0x1c: {  	[tilespmem:s15], [sflag:$0x1] =	stream.indirect.gather [hbm4b:s4+s14], $0x80, s18, s14, $0xb8;
	[tilespmem:$0x1D000] =	vst v63  }
0x1d: {  	_ =	swait.ge [sflag:s16], $0x4000  }
0x1e: {  	[sflag:s16] =	ssyncset.done $0x0  }
0x1f: {  	s31 =	simm.s32 $0x2800;
	[sflag:s16] =	ssyncadd.s32 $0xFFFFC000  }
0x20: {  	[spmem:s2] =	stream.indirect.scatter.add.f32 [tilespmem:s15], [sflag:$0x2], $0x80, s31, s14, $0xb8;
	[tilespmem:$0x1D000] =	vst v63  }
0x21: {  	_ =	swait.ge [sflag:s10], $0x4000  }
0x22: {  	s19 =	simm.s32 $0x400;
	s18 =	simm.s32 $0x200;
	[sflag:s10] =	ssyncset.done $0x0  }
.LBB2_2:
0x23: {  	s20 =	sshra.s32 s18, $0x2  }
0x24: {  	[sflag:s10] =	ssyncadd.s32 $0xFFFFC000;
	s18 =	smov.u32 s19;
	s21 =	sadd.s32 $0x200, s19  }
0x25: {  	[tilespmem:s15], [sflag:$0x1] =	stream.indirect.gather [hbm4b:s4+s14], $0x80, s20, s14, $0xb8;
	[tilespmem:$0x1D000] =	vst v63  }
0x26: {  	p0 =	sne.s32 s19, $0x9C00;
	_ =	swait.ge [sflag:s16], $0x4000  }
.Ltmp0:
0x27: {  	[sflag:s16] =	ssyncset.done $0x0;
	(pc) =	sbr.rel @p0 .LBB2_2-.Ltmp0, $4  }
0x28: {  	s19 =	sadd.s32 $0x2800, s20;
	[sflag:s16] =	ssyncadd.s32 $0xFFFFC000  }
0x29: {  	[spmem:s2] =	stream.indirect.scatter.add.f32 [tilespmem:s15], [sflag:$0x2], $0x80, s19, s14, $0xb8;
	[tilespmem:$0x1D000] =	vst v63  }
0x2a: {  	_ =	swait.ge [sflag:s10], $0x4000  }
0x2b: {  	s19 =	smov.u32 s21;
	[sflag:s10] =	ssyncset.done $0x0  }
0x2c: {  	s18 =	sshra.s32 s18, $0x2;
	[sflag:s10] =	ssyncadd.s32 $0xFFFFC000  }
0x2d: {  	[tilespmem:s15], [sflag:$0x1] =	stream.indirect.gather [hbm4b:s4+s14], $0x80, s18, s14, $0xb8;
	[tilespmem:$0x1D000] =	vst v63  }
0x2e: {  	_ =	swait.ge [sflag:s16], $0x4000  }
0x2f: {  	[sflag:s16] =	ssyncset.done $0x0  }
0x30: {  	s18 =	sadd.s32 $0x2800, s18;
	[sflag:s16] =	ssyncadd.s32 $0xFFFFC000  }
0x31: {  	[spmem:s2] =	stream.indirect.scatter.add.f32 [tilespmem:s15], [sflag:$0x2], $0x80, s18, s14, $0xb8;
	[tilespmem:$0x1D000] =	vst v63  }
0x32: {  	_ =	swait.ge [sflag:s10], $0x4000  }
0x33: {  	s17 =	sadd.s32 $0x1, s17;
	[sflag:s10] =	ssyncset.done $0x0  }
0x34: {  	p0 =	sne.s32 s17, s8;
	[sflag:s10] =	ssyncadd.s32 $0xFFFFC000  }
.Ltmp1:
0x35: {  	[bflag:$0x0] =	sbarrier.arrive $0xFFFF;
	(pc) =	sbr.rel @p0 .LBB2_1-.Ltmp1, $4  }
0x36: {  	[hbm:s9], [sflag:s12] =	dma.local [spmem:s13], $0x2800  }
0x37: {  	_ =	swait.ge [sflag:s10], $0x2800  }
0x38: {  	[sflag:s10] =	ssyncset.done $0x0  }
0x39: {  	[sflag:s10] =	ssyncadd.s32 $0xFFFFD800  }
0x3a: {  	_ =	sfence.sel $0x180000  }
0x3b: {  	[bflag:$0x0] =	sbarrier.arrive $0xFFFF  }
0x3c: {  	p0 =	sne.s32 s0, $0x0;
	_ =	strace $0x9000004D  }
0x3d: {  	s0 =	sadd.s32 @!p0 $0x100000, s1;
	[bflag:$0x2] =	sbarrier.arrive $0xFFFF  }
0x3e: {  	[sflag:s0] =	ssyncadd.tile.s32 @!p0 $0x1;
	_ =	shalt  }
.Lfunc_end2:
_tile_overlayer_lowered:
.L_overlay_start_2:
0x3f: {  	(tag) =	ssettag $0x2  }
0x40: {  	s0 =	rddreg [dreg:$0x0];
	s2 =	stileid.u32  }
0x41: {  	s1 =	rddreg [dreg:$0x1];
	p0 =	sne.s32 s2, $0x0  }
0x42: {  	s3 =	rddreg [dreg:$0x2];
	[bflag:$0x3] =	sbarrier.arrive $0xFFFF;
	s2 =	simm.s32 @!p0 $0x1C02  }
0x43: {  	[timem:s3], [sflag:s2] =	dma.local @!p0 [hbm:s0], s1  }
0x44: {  	s0 =	simm.s32 @!p0 $0x2  }
0x45: {  	_ =	swait.ge @!p0 [sflag:s0], s1  }
0x46: {  	s1 =	ssub.s32 @!p0 $0x0, s1;
	[sflag:s0] =	ssyncset.done @!p0 $0x0  }
0x47: {  	[sflag:s0] =	ssyncadd.s32 @!p0 s1  }
0x48: {  	[bflag:$0x3] =	sbarrier.arrive $0xFFFF  }
0x49: {  	_ =	shalt  }

// kernel: kernel.8.cloned.1.call-start
scs
__scs_entry_jumppad:
0x0: {  	(pc) =	sbr.rel $0x88, $3  }
0x1: {  	(tag) =	ssettag $0x0;
	lr =	simm.s32 $0x1  }
0x2: {  	[smem:$0x3F97] =	sst lr;
	_ =	strace $0xD0000000  }
0x3: {  	_ = 	snop  }
0x4: {  	_ = 	snop  }
0x5: {  	_ = 	snop  }
0x6: {  	_ = 	snop  }
0x7: {  	_ = 	snop  }
__scs_overlays_trampoline_lowered:
0x8: {  	[smem:$0x3FA6] =	sst s0  }
0x9: {  	[smem:$0x3FA7] =	sst s1  }
0xa: {  	[smem:$0x3FA8] =	sst s2  }
0xb: {  	[smem:$0x3FA9] =	sst s3  }
0xc: {  	[smem:$0x3FAA] =	sst s4  }
0xd: {  	[smem:$0x3FAB] =	sst s5  }
0xe: {  	[smem:$0x3FAC] =	sst s6  }
0xf: {  	[smem:$0x3FAD] =	sst s7  }
0x10: {  	[smem:$0x3FAE] =	sst s8  }
0x11: {  	[smem:$0x3FAF] =	sst s9;
	s0 =	simm.s32 @!p0 $0x0  }
0x12: {  	s1 =	sld [smem:$0x3F95];
	s0 =	simm.s32 @p0 $0x1  }
0x13: {  	[smem:$0x3FB0] =	sst s0;
	s0 =	simm.s32 @!p1 $0x0  }
0x14: {  	s2 =	sld [smem:$0x3F94];
	s0 =	simm.s32 @p1 $0x1  }
0x15: {  	[smem:$0x3FB1] =	sst s0;
	s0 =	simm.s32 @!p2 $0x0  }
0x16: {  	s3 =	sld [smem:$0x3FDB];
	s0 =	simm.s32 @p2 $0x1  }
0x17: {  	s4 =	simm.s32 $0x1BF5;
	[smem:$0x3FB3] =	sst s0  }
0x18: {  	s0 =	sld [smem:$0x3F96];
	_ =	swait.ge [sflag:s4], $0x0  }
0x19: {  	s7 =	sld [smem:$0x3F97]  }
0x1a: {  	s8 =	sadd.s32 $0xFFFFE003, lr  }
0x1b: {  	s9 =	sadd.s32 $0xFFFFFEF7, lr;
	s5 =	simm.s32 $0xFFFFFFFF;
	p2 =	slt.u32 s8, $0xFFFFF086  }
0x1c: {  	p1 =	slt.u32 s9, $0xF7A;
	s5 =	simm.s32 @!p2 $0x0  }
0x1d: {  	s5 =	simm.s32 @p1 $0x1;
	p0 =	seq.s32 s7, s2  }
0x1e: {  	s7 =	smul.u32 @!p0 $0xF7A, s2;
	p2 =	seq.s32 @!p0 s5, $0x0  }
0x1f: {  	s9 =	smul.u32 $0xF7A, s1;
	s8 =	simm.s32 @!p0 $0x1BF5;
	p2 =	por !p2, p0  }
0x20: {  	[sflag:s8] =	ssyncset.s32 @!p0 $0xFFFFF086;
	s6 =	sadd.s32 @!p0 s3, s7;
	s7 =	simm.s32 @!p0 $0x108  }
0x21: {  	s3 =	sadd.s32 s3, s9;
	s6 =	sadd.s32 @!p0 $0x88, s6;
	s7 =	simm.s32 @p2 $0x1082  }
0x22: {  	[simem:s7], [sflag:s8] =	dma.local @!p0 [hbm:s6], $0xF7A  }
0x23: {  	s9 =	sor.u32 $0xD0000000, s2;
	s6 =	simm.s32 $0x108;
	_ =	swait.ge @!p0 [sflag:s8], $0x0  }
0x24: {  	s3 =	sadd.s32 $0x88, s3;
	s6 =	simm.s32 @!p1 $0x1082;
	[sflag:s4] =	ssyncset.s32 $0xFFFFF086  }
0x25: {  	[simem:s6], [sflag:s4] =	dma.local [hbm:s3], $0xF7A  }
0x26: {  	[smem:$0x3F97] =	sst s1;
	(tag) =	ssettag s2;
	_ =	strace s9  }
0x27: {  	s1 =	sld [smem:$0x3FA7]  }
0x28: {  	s2 =	sld [smem:$0x3FA8]  }
0x29: {  	s4 =	sld [smem:$0x3FAA]  }
0x2a: {  	p0 =	seq.s32 s5, $0x0;
	s5 =	sld [smem:$0x3FAB]  }
0x2b: {  	s6 =	sld [smem:$0x3FAC]  }
0x2c: {  	s7 =	sld [smem:$0x3FAD]  }
0x2d: {  	s3 =	simm.s32 $0x108;
	s8 =	sld [smem:$0x3FAE]  }
0x2e: {  	s3 =	simm.s32 @!p0 $0x1082;
	s9 =	sld [smem:$0x3FAF]  }
0x2f: {  	lr =	sadd.s32 s0, s3;
	s0 =	sld [smem:$0x3FA6]  }
0x30: {  	s3 =	sld [smem:$0x3FA9]  }
0x31: {  	[smem:$0x3FB2] =	sst s10  }
0x32: {  	s10 =	sld [smem:$0x3FB0];
	_ =	sdelay $0x3  }
0x33: {  	p0 =	seq.s32 s10, $0x1;
	s10 =	sld [smem:$0x3FB2];
	_ =	sdelay $0x3  }
0x34: {  	[smem:$0x3FB2] =	sst s10  }
0x35: {  	s10 =	sld [smem:$0x3FB1];
	_ =	sdelay $0x3  }
0x36: {  	p1 =	seq.s32 s10, $0x1;
	s10 =	sld [smem:$0x3FB2];
	_ =	sdelay $0x3  }
0x37: {  	[smem:$0x3FB2] =	sst s10  }
0x38: {  	s10 =	sld [smem:$0x3FB3]  }
0x39: {  	_ = 	snop;
	(pc) =	sbr.ind lr, $3  }
0x3a: {  	_ = 	snop  }
0x3b: {  	_ = 	snop  }
0x3c: {  	p2 =	seq.s32 s10, $0x1;
	s10 =	sld [smem:$0x3FB2]  }
0x3d: {  	_ =	shalt  }
0x3e: {  	_ =	shalt  }
0x3f: {  	_ =	shalt  }
0x40: {  	_ =	shalt  }
0x41: {  	_ =	shalt  }
0x42: {  	_ =	shalt  }
0x43: {  	_ =	shalt  }
0x44: {  	_ =	shalt  }
0x45: {  	_ =	shalt  }
0x46: {  	_ =	shalt  }
0x47: {  	_ =	shalt  }
0x48: {  	_ =	shalt  }
0x49: {  	_ =	shalt  }
0x4a: {  	_ =	shalt  }
0x4b: {  	_ =	shalt  }
0x4c: {  	_ =	shalt  }
0x4d: {  	_ =	shalt  }
0x4e: {  	_ =	shalt  }
0x4f: {  	_ =	shalt  }
0x50: {  	_ =	shalt  }
0x51: {  	_ =	shalt  }
0x52: {  	_ =	shalt  }
0x53: {  	_ =	shalt  }
0x54: {  	_ =	shalt  }
0x55: {  	_ =	shalt  }
0x56: {  	_ =	shalt  }
0x57: {  	_ =	shalt  }
0x58: {  	_ =	shalt  }
0x59: {  	_ =	shalt  }
0x5a: {  	_ =	shalt  }
0x5b: {  	_ =	shalt  }
0x5c: {  	_ =	shalt  }
0x5d: {  	_ =	shalt  }
0x5e: {  	_ =	shalt  }
0x5f: {  	_ =	shalt  }
0x60: {  	_ =	shalt  }
0x61: {  	_ =	shalt  }
0x62: {  	_ =	shalt  }
0x63: {  	_ =	shalt  }
0x64: {  	_ =	shalt  }
0x65: {  	_ =	shalt  }
0x66: {  	_ =	shalt  }
0x67: {  	_ =	shalt  }
0x68: {  	_ =	shalt  }
0x69: {  	_ =	shalt  }
0x6a: {  	_ =	shalt  }
0x6b: {  	_ =	shalt  }
0x6c: {  	_ =	shalt  }
0x6d: {  	_ =	shalt  }
0x6e: {  	_ =	shalt  }
0x6f: {  	_ =	shalt  }
0x70: {  	_ =	shalt  }
0x71: {  	_ =	shalt  }
0x72: {  	_ =	shalt  }
0x73: {  	_ =	shalt  }
0x74: {  	_ =	shalt  }
0x75: {  	_ =	shalt  }
0x76: {  	_ =	shalt  }
0x77: {  	_ =	shalt  }
0x78: {  	_ =	shalt  }
0x79: {  	_ =	shalt  }
0x7a: {  	_ =	shalt  }
0x7b: {  	_ =	shalt  }
0x7c: {  	_ =	shalt  }
0x7d: {  	_ =	shalt  }
0x7e: {  	_ =	shalt  }
0x7f: {  	_ =	shalt  }
0x80: {  	_ =	shalt  }
0x81: {  	_ =	shalt  }
0x82: {  	_ =	shalt  }
0x83: {  	_ =	shalt  }
0x84: {  	_ =	shalt  }
0x85: {  	_ =	shalt  }
0x86: {  	_ =	shalt  }
0x87: {  	_ =	shalt  }
.Lfunc_end0:
.L_simem_size_0:
called_computation_lowered:
.L_overlay_start_0:
0x88: {  	s2 =	sld [smem:$0x3FD9]  }
0x89: {  	s3 =	sld [smem:$0x3FFE];
	_ =	sdelay $0x1  }
0x8a: {  	s1 =	srdreg.scid  }
0x8b: {  	s0 =	sand.u32 $0x1, s1  }
0x8c: {  	s16 =	sshll.u32 s0, $0xA;
	s2 =	sadd.s32 s3, s2  }
0x8d: {  	s2 =	sadd.s32 s2, s16  }
0x8e: {  	[smem:$0x3FBE] =	sst s2  }
0x8f: {  	_ = 	snop  }
0x90: {  	(tm) =	ssettm $0x1  }
0x91: {  	s17 =	sld [smem:$0x3FFB];
	_ =	sdelay $0x3  }
0x92: {  	_ =	strace s17  }
0x93: {  	s2 =	sld [smem:$0x3FFC];
	_ =	sdelay $0x3  }
0x94: {  	_ =	strace s2  }
0x95: {  	s2 =	sld [smem:$0x3FFD];
	_ =	sdelay $0x3  }
0x96: {  	_ =	strace s2  }
0x97: {  	_ =	strace $0x8FFFFFFF  }
0x98: {  	s18 =	sld [smem:$0x3FDB];
	_ =	sdelay $0x1  }
0x99: {  	s19 =	simm.s32 $_scs_section_size  }
0x9a: {  	s4 =	simm.s32 $_size__tile_overlayer_lowered;
	s5 =	simm.s32 $_tile_overlayer_lowered  }
0x9b: {  	s22 =	simm.s32 $0x1BFF;
	s21 =	sshll.u32 s5, $0x1;
	s2 =	sadd.s32 s19, s18  }
0x9c: {  	s6 =	simm.s32 $0x0;
	s20 =	sshll.u32 s4, $0x1;
	s4 =	sadd.s32 s21, s2  }
0x9d: {  	[timem:s6], [sflag:s22] =	dma.local [hbm:s4], s20  }
0x9e: {  	_ =	swait.ge [sflag:s22], s20  }
0x9f: {  	s3 =	ssub.s32 $0x0, s20;
	[sflag:s22] =	ssyncset.done $0x0  }
0xa0: {  	[sflag:s22] =	ssyncadd.s32 s3;
	_ =	sdelay $0x1  }
0xa1: {  	s23 =	simm.s32 $0x1B8B  }
0xa2: {  	_ =	swait.ge [sflag:s23], $0x1  }
0xa3: {  	[sflag:s23] =	ssyncset.done $0x0  }
0xa4: {  	s25 =	simm.s32 $0x1B8E;
	s24 =	sld [smem:$0x3FFE];
	[sflag:s23] =	ssyncadd.s32 $0xFFFFFFFF  }
0xa5: {  	s26 =	simm.s32 $execute0_lowered;
	[smem:$0x3FD2] =	sst s25  }
0xa6: {  	s4 =	sshll.u32 s26, $0x1;
	_ =	strace $0x80000046;
	[dreg:$0x1] =	wrdreg $0xFFFFFFFF  }
0xa7: {  	s28 =	simm.s32 $_size_execute0_lowered;
	s2 =	sadd.s32 s2, s4;
	[dreg:$0x0] =	wrdreg $0x0  }
0xa8: {  	s4 =	sshll.u32 s28, $0x1;
	[dreg:$0x2] =	wrdreg s2  }
0xa9: {  	[dreg:$0x3] =	wrdreg s4  }
0xaa: {  	[dreg:$0x4] =	wrdreg $0xC0  }
0xab: {  	_ =	task [dreg:s6], $0x5FFFF  }
0xac: {  	[dreg:$0x1] =	wrdreg $0xFFFFFFFF  }
0xad: {  	[dreg:$0x0] =	wrdreg $0x60  }
0xae: {  	[dreg:$0x2] =	wrdreg s24  }
0xaf: {  	[dreg:$0x3] =	wrdreg $0x2B000  }
0xb0: {  	[dreg:$0x4] =	wrdreg $0x9  }
0xb1: {  	_ =	task.clear_ibuf [dreg:s6], $0x5FFFF;
	_ =	strace $0x90000046  }
0xb2: {  	s29 =	simm.s32 $0x9;
	_ =	strace $0x80000048  }
0xb3: {  	_ =	swait.ge [sflag:s29], $0x1  }
0xb4: {  	[sflag:s29] =	ssyncadd.s32 $0xFFFFFFFF  }
0xb5: {  	_ =	strace $0x90000048  }
0xb6: {  	_ =	sfence  }
0xb7: {  	s30 =	sld [smem:$0x0];
	_ =	sdelay $0x2  }
0xb8: {  	s31 =	sshll.u32 s1, $0xD;
	s1 =	sshrl.u32 s1, $0x2  }
0xb9: {  	s3 =	sand.u32 $0x4000, s31;
	s1 =	sadd.s32 s1, s30  }
0xba: {  	s0 =	sor.u32 s3, s0;
	s1 =	sshll.u32 s1, $0x11  }
0xbb: {  	s0 =	sor.u32 s1, s0  }
0xbc: {  	s0 =	sadd.s32 $0x8F2B, s0  }
0xbd: {  	[sflag:s0] =	ssyncadd.remote.s32 $0x1  }
0xbe: {  	_ =	sfence.sel $0xFFFF  }
0xbf: {  	[dreg:$0x0] =	wrdreg $0xFFFFFFFF;
	(pc) =	sbr.abs _section_cstart, $3  }
0xc0: {  	[dreg:$0x1] =	wrdreg $0xFFFFFFFF  }
0xc1: {  	_ =	task.clear_ibuf [dreg:s6], $0x2FFFF;
	_ =	strace $0x9FFFFFFF  }
0xc2: {  	(tm) =	ssettm $0x7FFFFFFF  }
0xc3: {  	_ =	shalt  }
tec
execute0_lowered:
.L_overlay_start_1:
0x0: {  	(tag) =	ssettag $0x1  }
0x1: {  	s7 =	rddreg [dreg:$0x0];
	s1 =	srdreg.scid  }
0x2: {  	s0 =	stileid.u32;
	s2 =	rddreg [dreg:$0x1]  }
0x3: {  	s3 =	simm.s32 $0x0;
	s10 =	simm.s32 $0x80;
	s11 =	simm.s32 $0x2800  }
0x4: {  	s14 =	simm.s32 $0x0;
	s4 =	sand.u32 $0x1, s1;
	s1 =	rddreg [dreg:$0x2]  }
0x5: {  	s5 =	sshll.u32 s0, $0x1;
	[smem:$0x7FF] =	sst s3;
	s9 =	smul.u32 $0x280, s0  }
0x6: {  	s12 =	sshll.u32 s0, $0x6;
	s5 =	sor.u32 s4, s5;
	s6 =	ssub.s32 $0x2, s4  }
0x7: {  	_ =	strace $0x80000047;
	s5 =	smul.u32 $0x500, s5;
	s8 =	sshrl.u32 s6, $0x1  }
0x8: {  	p0 =	seq.s32 s4, $0x1;
	s6 =	ssub.s32 s6, s8;
	s8 =	simm.s32 $0xE800  }
0x9: {  	s12 =	sor.u32 $0x1C01, s12;
	s5 =	sadd.s32 s5, s7;
	s8 =	simm.s32 @!p0 $0xE200  }
0xa: {  	s6 =	smax.u32 s6, $0x1;
	s4 =	sadd.s32 $0x4200, s5;
	s5 =	sadd.s32 s9, s2  }
0xb: {  	s9 =	sshrl.u32 s9, $0x3;
	s7 =	sadd.s32 s8, s7;
	s8 =	simm.s32 $0x1  }
0xc: {  	v0 =	vimm.f32 $1.000000000e+00;
	v1 =	vimm.f32 $0.0e+00;
	s7 =	sadd.s32 s7, s9;
	s9 =	simm.s32 $0x2880;
	s13 =	sshrl.u32 s5, $0x3  }
.LBB2_1:
0xd: {  	[tilespmem:s3], [sflag:$0x1] =	stream.linear.gather [hbm4b:s4+s3], $0x2780, $0x38;
	[tilespmem:$0x2D80] =	vst v63  }
0xe: {  	_ =	swait.ge [sflag:s8], $0x2780  }
0xf: {  	[sflag:s8] =	ssyncset.done $0x0  }
0x10: {  	[sflag:s8] =	ssyncadd.s32 $0xFFFFD880  }
0x11: {  	[tilespmem:$0x2800] =	vst v0  }
0x12: {  	[tilespmem:$0x2810] =	vst v0  }
0x13: {  	[tilespmem:$0x2820] =	vst v0  }
0x14: {  	[tilespmem:$0x2830] =	vst v0  }
0x15: {  	[tilespmem:$0x2840] =	vst v0  }
0x16: {  	[tilespmem:$0x2850] =	vst v0  }
0x17: {  	[tilespmem:$0x2860] =	vst v0  }
0x18: {  	[tilespmem:$0x2870] =	vst v0  }
0x19: {  	[tilespmem:$0x2880] =	vst v1  }
0x1a: {  	[tilespmem:$0x2890] =	vst v1  }
0x1b: {  	[tilespmem:$0x28A0] =	vst v1  }
0x1c: {  	[tilespmem:$0x28B0] =	vst v1  }
0x1d: {  	[tilespmem:$0x28C0] =	vst v1  }
0x1e: {  	[tilespmem:$0x28D0] =	vst v1  }
0x1f: {  	[tilespmem:$0x28E0] =	vst v1  }
0x20: {  	[tilespmem:$0x28F0] =	vst v1  }
0x21: {  	[tilespmem:$0x2900] =	vst v1  }
0x22: {  	[tilespmem:$0x2910] =	vst v1  }
0x23: {  	[tilespmem:$0x2920] =	vst v1  }
0x24: {  	[tilespmem:$0x2930] =	vst v1  }
0x25: {  	[tilespmem:$0x2940] =	vst v1  }
0x26: {  	[tilespmem:$0x2950] =	vst v1  }
0x27: {  	[tilespmem:$0x2960] =	vst v1  }
0x28: {  	[tilespmem:$0x2970] =	vst v1  }
0x29: {  	[tilespmem:$0x2980] =	vst v1  }
0x2a: {  	[tilespmem:$0x2990] =	vst v1  }
0x2b: {  	[tilespmem:$0x29A0] =	vst v1  }
0x2c: {  	[tilespmem:$0x29B0] =	vst v1  }
0x2d: {  	[tilespmem:$0x29C0] =	vst v1  }
0x2e: {  	[tilespmem:$0x29D0] =	vst v1  }
0x2f: {  	[tilespmem:$0x29E0] =	vst v1  }
0x30: {  	[tilespmem:$0x29F0] =	vst v1  }
0x31: {  	[tilespmem:$0x2A00] =	vst v1  }
0x32: {  	[tilespmem:$0x2A10] =	vst v1  }
0x33: {  	[tilespmem:$0x2A20] =	vst v1  }
0x34: {  	[tilespmem:$0x2A30] =	vst v1  }
0x35: {  	[tilespmem:$0x2A40] =	vst v1  }
0x36: {  	[tilespmem:$0x2A50] =	vst v1  }
0x37: {  	[tilespmem:$0x2A60] =	vst v1  }
0x38: {  	[tilespmem:$0x2A70] =	vst v1  }
0x39: {  	[tilespmem:$0x2A80] =	vst v1  }
0x3a: {  	[tilespmem:$0x2A90] =	vst v1  }
0x3b: {  	[tilespmem:$0x2AA0] =	vst v1  }
0x3c: {  	[tilespmem:$0x2AB0] =	vst v1  }
0x3d: {  	[tilespmem:$0x2AC0] =	vst v1  }
0x3e: {  	[tilespmem:$0x2AD0] =	vst v1  }
0x3f: {  	[tilespmem:$0x2AE0] =	vst v1  }
0x40: {  	[tilespmem:$0x2AF0] =	vst v1  }
0x41: {  	[spmem:s5] =	stream.linear.scatter [tilespmem:s9], [sflag:$0x1], $0x280, $0x38;
	[tilespmem:$0x2D80] =	vst v63  }
0x42: {  	_ =	swait.ge [sflag:s8], $0x280  }
0x43: {  	[sflag:s8] =	ssyncset.done $0x0  }
0x44: {  	[sflag:s8] =	ssyncadd.s32 $0xFFFFFD80  }
0x45: {  	s15 =	simm.s32 $0x0;
	[bflag:$0x0] =	sbarrier.arrive $0xFFFF  }
0x46: {  	[spmem:s2] =	stream.indirect.scatter.add.f32 [tilespmem:s11], [sflag:$0x1], $0x1, s15, s10, $0xb8;
	[tilespmem:$0x2D80] =	vst v63  }
0x47: {  	_ =	swait.ge [sflag:s8], $0x80  }
0x48: {  	s15 =	simm.s32 $0x200;
	[sflag:s8] =	ssyncset.done $0x0  }
.LBB2_2:
0x49: {  	s16 =	sshra.s32 s15, $0x2;
	[sflag:s8] =	ssyncadd.s32 $0xFFFFFF80;
	p0 =	sne.s32 s15, $0x9C00  }
0x4a: {  	[spmem:s2] =	stream.indirect.scatter.add.f32 [tilespmem:s11], [sflag:$0x1], $0x1, s16, s10, $0xb8;
	[tilespmem:$0x2D80] =	vst v63  }
.Ltmp0:
0x4b: {  	_ = 	snop;
	(pc) =	sbr.rel @p0 .LBB2_2-.Ltmp0, $4  }
0x4c: {  	_ = 	snop  }
0x4d: {  	s15 =	sadd.s32 $0x200, s15  }
0x4e: {  	_ =	swait.ge [sflag:s8], $0x80  }
0x4f: {  	[sflag:s8] =	ssyncset.done $0x0  }
0x50: {  	s14 =	sadd.s32 $0x1, s14  }
0x51: {  	[sflag:s8] =	ssyncadd.s32 $0xFFFFFF80;
	p0 =	sne.s32 s14, s6  }
.Ltmp1:
0x52: {  	[bflag:$0x0] =	sbarrier.arrive $0xFFFF;
	(pc) =	sbr.rel @p0 .LBB2_1-.Ltmp1, $4  }
0x53: {  	[hbm:s7], [sflag:s12] =	dma.local [spmem:s13], $0x50  }
0x54: {  	_ =	swait.ge [sflag:s8], $0x50  }
0x55: {  	[sflag:s8] =	ssyncset.done $0x0  }
0x56: {  	[sflag:s8] =	ssyncadd.s32 $0xFFFFFFB0  }
0x57: {  	_ =	sfence.sel $0x180000  }
0x58: {  	[bflag:$0x0] =	sbarrier.arrive $0xFFFF  }
0x59: {  	p0 =	sne.s32 s0, $0x0;
	_ =	strace $0x90000047  }
0x5a: {  	s0 =	sadd.s32 @!p0 $0x100000, s1;
	[bflag:$0x2] =	sbarrier.arrive $0xFFFF  }
0x5b: {  	[sflag:s0] =	ssyncadd.tile.s32 @!p0 $0x1;
	_ =	shalt  }
.Lfunc_end2:
_tile_overlayer_lowered:
.L_overlay_start_2:
0x5c: {  	(tag) =	ssettag $0x2  }
0x5d: {  	s0 =	rddreg [dreg:$0x0];
	s2 =	stileid.u32  }
0x5e: {  	s1 =	rddreg [dreg:$0x1];
	p0 =	sne.s32 s2, $0x0  }
0x5f: {  	s3 =	rddreg [dreg:$0x2];
	[bflag:$0x3] =	sbarrier.arrive $0xFFFF;
	s2 =	simm.s32 @!p0 $0x1C01  }
0x60: {  	[timem:s3], [sflag:s2] =	dma.local @!p0 [hbm:s0], s1  }
0x61: {  	s0 =	simm.s32 @!p0 $0x1  }
0x62: {  	_ =	swait.ge @!p0 [sflag:s0], s1  }
0x63: {  	s1 =	ssub.s32 @!p0 $0x0, s1;
	[sflag:s0] =	ssyncset.done @!p0 $0x0  }
0x64: {  	[sflag:s0] =	ssyncadd.s32 @!p0 s1  }
0x65: {  	[bflag:$0x3] =	sbarrier.arrive $0xFFFF  }
0x66: {  	_ =	shalt  }

</sc_bundles>
